<compile_context>
chip_gen: v7x
topology: tpu7x:2x2x1
jax: 0.10.2.dev20260603
libtpu: 0.0.44.dev20260713+nightly
codegen_flags: <defaults>
</compile_context>

<pallas_src>
import functools

import jax
import jax.numpy as jnp
from jax import lax
from jax.experimental import pallas as pl
from jax.experimental.pallas import tpu as pltpu
from jax.experimental.pallas import tpu_sc as plsc


@functools.lru_cache(maxsize=None)
def _make_gather(num_rows, dim, batch):
    info = plsc.get_sparse_core_info()
    nc, ns = info.num_cores, info.num_subcores
    nw = nc * ns
    assert batch % nw == 0
    b_per_w = batch // nw
    chunk = 1024
    while b_per_w % chunk:
        chunk //= 2
    n_chunks = b_per_w // chunk

    mesh = plsc.VectorSubcoreMesh(core_axis_name="c", subcore_axis_name="s")

    @functools.partial(
        pl.kernel,
        mesh=mesh,
        out_type=jax.ShapeDtypeStruct((batch, dim), jnp.float32),
        scratch_types=[
            pltpu.VMEM((b_per_w,), jnp.int32),
            pltpu.VMEM((2, chunk, dim), jnp.float32),
            pltpu.SemaphoreType.DMA,
            pltpu.SemaphoreType.DMA,
        ],
        compiler_params=pltpu.CompilerParams(use_tc_tiling_on_sc=False),
    )
    def gather(idx_hbm, table_hbm, out_hbm, idx_v, rows_v, gsem, ssem):
        wid = lax.axis_index("s") * nc + lax.axis_index("c")
        base = wid * b_per_w
        pltpu.sync_copy(idx_hbm.at[pl.ds(base, b_per_w)], idx_v)

        def gather_start(c):
            return pltpu.async_copy(
                table_hbm.at[idx_v.at[pl.ds(c * chunk, chunk)]],
                rows_v.at[c % 2], gsem)

        def store_start(c):
            return pltpu.async_copy(
                rows_v.at[c % 2],
                out_hbm.at[pl.ds(base + c * chunk, chunk)], ssem)

        g = gather_start(0)
        s_prev = None
        for c in range(n_chunks):
            g.wait()
            s = store_start(c)
            if c + 1 < n_chunks:
                if s_prev is not None:
                    s_prev.wait()
                g = gather_start(c + 1)
            s_prev_old, s_prev = s_prev, s
        s_prev.wait()
        if n_chunks > 1:
            s_prev_old.wait()

    return gather


def kernel(indices, weight):
    batch = indices.shape[0] * indices.shape[1]
    flat = indices.reshape(batch).astype(jnp.int32)
    gather = _make_gather(weight.shape[0], weight.shape[1], batch)
    out = gather(flat, weight)
    return out.reshape(indices.shape + (weight.shape[1],))

# --- scband reference (transcript-rebuilt; emitter-appended) ---
"""Pipeline reference for scband-geodesic-embedding-7576322310234 (READ-ONLY COPY).

The authoritative reference and input builder live on the scoring server;
editing this copy changes nothing except your own understanding.
"""

import jax, jax.numpy as jnp
import numpy as np

NUM_EMBEDDINGS = 1000000
EMBEDDING_DIM = 32
SCALE = 0.001
EPS = 1e-5

def _poincare_project(x):
    # Project points into the open unit (Poincare) ball: clip norm to < 1.
    norm = jnp.linalg.norm(x, axis=-1, keepdims=True)
    max_norm = 1.0 - EPS
    cond = norm > max_norm
    projected = x / norm * max_norm
    return jnp.where(cond, projected, x)

def setup_inputs(seed: int = 0) -> dict:
    key = jax.random.key(seed)
    k_idx, k_w = jax.random.split(key)
    indices = jax.random.randint(k_idx, (16384, 26), 0, NUM_EMBEDDINGS, dtype=jnp.int64 if jax.config.jax_enable_x64 else jnp.int32)
    weight = jax.random.normal(k_w, (NUM_EMBEDDINGS, EMBEDDING_DIM), dtype=jnp.float32) * SCALE
    weight = _poincare_project(weight)
    return {"indices": indices, "weight": weight}

def reference(indices, weight):
    # Faithful to F.embedding(indices, self.weight): plain row gather.
    return jnp.take(weight, indices, axis=0)

if __name__ == "__main__":
    import jax
    _d = setup_inputs()
    print(jax.jit(kernel)(*tuple(_d.values())))

</pallas_src>

<mosaic_0001>
#map = affine_map<(d0, d1) -> (0)>
#map1 = affine_map<(d0, d1) -> (0, 0)>
module attributes {stable_mosaic.version = 14 : i64} {
  func.func @gather(%arg0: i32, %arg1: i32, %arg2: memref<425984xi32, #tpu.memory_space<hbm>>, %arg3: memref<1000000x32xf32, #tpu.memory_space<hbm>>, %arg4: memref<425984x32xf32, #tpu.memory_space<hbm>>, %arg5: memref<13312xi32, #tpu.memory_space<vmem>>, %arg6: memref<2x1024x32xf32, #tpu.memory_space<vmem>>, %arg7: memref<!tpu.dma_semaphore, #tpu.memory_space<semaphore_mem>>, %arg8: memref<!tpu.dma_semaphore, #tpu.memory_space<semaphore_mem>>) attributes {dimension_semantics = [#tpu.dimension_semantics<core_parallel>, #tpu.dimension_semantics<subcore_parallel>], iteration_bounds = array<i64: 2, 16>, scalar_prefetch = 0 : i64, scratch_operands = 4 : i64, tpu.core_type = #tpu.core_type<sc_vector_subcore>, window_params = [{transform_indices = #map}, {transform_indices = #map1}, {transform_indices = #map1}]} {
    %mul3A = arith.constant 2 : i32
    %mul3A_0 = arith.muli %arg1, %mul3A : i32
    %add3A = arith.addi %mul3A_0, %arg0 : i32
    %mul3A_1 = arith.constant 13312 : i32
    %mul3A_2 = arith.muli %add3A, %mul3A_1 : i32
    "tpu.region"() ({
      %run_scoped3A = tpu.sem_alloc : memref<!tpu.dma_semaphore, #tpu.memory_space<semaphore_mem>>
      %dma_start3A_625 = tpu.memref_slice %arg2[%mul3A_2] : memref<425984xi32, #tpu.memory_space<hbm>> -> memref<13312xi32, #tpu.memory_space<hbm>>
      %dma_start3A_626 = tpu.memref_slice %arg2[%mul3A_2] : memref<425984xi32, #tpu.memory_space<hbm>> -> memref<13312xi32, #tpu.memory_space<hbm>>
      tpu.enqueue_dma source(%dma_start3A_626 : memref<13312xi32, #tpu.memory_space<hbm>>) target(%arg5 : memref<13312xi32, #tpu.memory_space<vmem>>) target_semaphore(%run_scoped3A : memref<!tpu.dma_semaphore, #tpu.memory_space<semaphore_mem>>)
      %dma_wait3A_627 = tpu.memref_slice %arg2[%mul3A_2] : memref<425984xi32, #tpu.memory_space<hbm>> -> memref<13312xi32, #tpu.memory_space<hbm>>
      %dma_wait3A_628 = tpu.memref_slice %arg2[%mul3A_2] : memref<425984xi32, #tpu.memory_space<hbm>> -> memref<13312xi32, #tpu.memory_space<hbm>>
      tpu.wait_dma2 semaphore(%run_scoped3A : memref<!tpu.dma_semaphore, #tpu.memory_space<semaphore_mem>>) src(%dma_wait3A_628 : memref<13312xi32, #tpu.memory_space<hbm>>) dst(%arg5 : memref<13312xi32, #tpu.memory_space<vmem>>)
      tpu.yield
    }) : () -> ()
    %dma_start3A = arith.constant 0 : i32
    %dma_start3A_3 = arith.constant 0 : i32
    %dma_start3A_4 = arith.constant 0 : i32
    %dma_start3A_5 = tpu.memref_slice %arg6[%dma_start3A, %dma_start3A_3, %dma_start3A_4] : memref<2x1024x32xf32, #tpu.memory_space<vmem>> -> memref<1x1024x32xf32, #tpu.memory_space<vmem>>
    %dma_start3A_6 = tpu.memref_squeeze %dma_start3A_5 : memref<1x1024x32xf32, #tpu.memory_space<vmem>> -> memref<1024x32xf32, #tpu.memory_space<vmem>>
    %dma_start3A_7 = arith.constant 0 : i32
    %dma_start3A_8 = tpu.memref_slice %arg5[%dma_start3A_7] : memref<13312xi32, #tpu.memory_space<vmem>> -> memref<1024xi32, #tpu.memory_space<vmem>>
    %dma_start3A_9 = arith.constant 0 : i32
    %dma_start3A_10 = arith.constant 0 : i32
    %dma_start3A_11 = tpu.memref_slice %arg3[%dma_start3A_9, %dma_start3A_10] : memref<1000000x32xf32, #tpu.memory_space<hbm>> -> memref<1000000x32xf32, #tpu.memory_space<hbm>>
    tpu.enqueue_indirect_dma source(%dma_start3A_11 : memref<1000000x32xf32, #tpu.memory_space<hbm>>) target(%dma_start3A_6 : memref<1024x32xf32, #tpu.memory_space<vmem>>) offsets(%dma_start3A_8 : memref<1024xi32, #tpu.memory_space<vmem>>) semaphore(%arg7 : memref<!tpu.dma_semaphore, #tpu.memory_space<semaphore_mem>>)
    %dma_wait3A = arith.constant 0 : i32
    %dma_wait3A_12 = arith.constant 0 : i32
    %dma_wait3A_13 = arith.constant 0 : i32
    %dma_wait3A_14 = tpu.memref_slice %arg6[%dma_wait3A, %dma_wait3A_12, %dma_wait3A_13] : memref<2x1024x32xf32, #tpu.memory_space<vmem>> -> memref<1x1024x32xf32, #tpu.memory_space<vmem>>
    %dma_wait3A_15 = tpu.memref_squeeze %dma_wait3A_14 : memref<1x1024x32xf32, #tpu.memory_space<vmem>> -> memref<1024x32xf32, #tpu.memory_space<vmem>>
    %dma_wait3A_16 = arith.constant 0 : i32
    %dma_wait3A_17 = tpu.memref_slice %arg5[%dma_wait3A_16] : memref<13312xi32, #tpu.memory_space<vmem>> -> memref<1024xi32, #tpu.memory_space<vmem>>
    %dma_wait3A_18 = arith.constant 0 : i32
    %dma_wait3A_19 = arith.constant 0 : i32
    %dma_wait3A_20 = tpu.memref_slice %arg3[%dma_wait3A_18, %dma_wait3A_19] : memref<1000000x32xf32, #tpu.memory_space<hbm>> -> memref<1000000x32xf32, #tpu.memory_space<hbm>>
    tpu.wait_indirect_dma semaphore(%arg7 : memref<!tpu.dma_semaphore, #tpu.memory_space<semaphore_mem>>) src(%dma_wait3A_20 : memref<1000000x32xf32, #tpu.memory_space<hbm>>) dst(%dma_wait3A_15 : memref<1024x32xf32, #tpu.memory_space<vmem>>)
    %add3A_21 = arith.constant 0 : i32
    %add3A_22 = arith.addi %mul3A_2, %add3A_21 : i32
    %dma_start3A_23 = arith.constant 0 : i32
    %dma_start3A_24 = arith.constant 0 : i32
    %dma_start3A_25 = arith.constant 0 : i32
    %dma_start3A_26 = tpu.memref_slice %arg6[%dma_start3A_23, %dma_start3A_24, %dma_start3A_25] : memref<2x1024x32xf32, #tpu.memory_space<vmem>> -> memref<1x1024x32xf32, #tpu.memory_space<vmem>>
    %dma_start3A_27 = tpu.memref_squeeze %dma_start3A_26 : memref<1x1024x32xf32, #tpu.memory_space<vmem>> -> memref<1024x32xf32, #tpu.memory_space<vmem>>
    %dma_start3A_28 = arith.constant 0 : i32
    %dma_start3A_29 = tpu.memref_slice %arg4[%add3A_22, %dma_start3A_28] : memref<425984x32xf32, #tpu.memory_space<hbm>> -> memref<1024x32xf32, #tpu.memory_space<hbm>>
    %dma_start3A_30 = arith.constant 0 : i32
    %dma_start3A_31 = tpu.memref_slice %arg4[%add3A_22, %dma_start3A_30] : memref<425984x32xf32, #tpu.memory_space<hbm>> -> memref<1024x32xf32, #tpu.memory_space<hbm>>
    %dma_start3A_32 = arith.constant 0 : i32
    %dma_start3A_33 = arith.constant 0 : i32
    %dma_start3A_34 = tpu.memref_slice %arg6[%dma_start3A_23, %dma_start3A_32, %dma_start3A_33] : memref<2x1024x32xf32, #tpu.memory_space<vmem>> -> memref<1x1024x32xf32, #tpu.memory_space<vmem>>
    %dma_start3A_35 = tpu.memref_squeeze %dma_start3A_34 : memref<1x1024x32xf32, #tpu.memory_space<vmem>> -> memref<1024x32xf32, #tpu.memory_space<vmem>>
    tpu.enqueue_dma source(%dma_start3A_35 : memref<1024x32xf32, #tpu.memory_space<vmem>>) target(%dma_start3A_31 : memref<1024x32xf32, #tpu.memory_space<hbm>>) target_semaphore(%arg8 : memref<!tpu.dma_semaphore, #tpu.memory_space<semaphore_mem>>)
    %dma_start3A_36 = arith.constant 1 : i32
    %dma_start3A_37 = arith.constant 0 : i32
    %dma_start3A_38 = arith.constant 0 : i32
    %dma_start3A_39 = tpu.memref_slice %arg6[%dma_start3A_36, %dma_start3A_37, %dma_start3A_38] : memref<2x1024x32xf32, #tpu.memory_space<vmem>> -> memref<1x1024x32xf32, #tpu.memory_space<vmem>>
    %dma_start3A_40 = tpu.memref_squeeze %dma_start3A_39 : memref<1x1024x32xf32, #tpu.memory_space<vmem>> -> memref<1024x32xf32, #tpu.memory_space<vmem>>
    %dma_start3A_41 = arith.constant 1024 : i32
    %dma_start3A_42 = tpu.memref_slice %arg5[%dma_start3A_41] : memref<13312xi32, #tpu.memory_space<vmem>> -> memref<1024xi32, #tpu.memory_space<vmem>>
    %dma_start3A_43 = arith.constant 0 : i32
    %dma_start3A_44 = arith.constant 0 : i32
    %dma_start3A_45 = tpu.memref_slice %arg3[%dma_start3A_43, %dma_start3A_44] : memref<1000000x32xf32, #tpu.memory_space<hbm>> -> memref<1000000x32xf32, #tpu.memory_space<hbm>>
    tpu.enqueue_indirect_dma source(%dma_start3A_45 : memref<1000000x32xf32, #tpu.memory_space<hbm>>) target(%dma_start3A_40 : memref<1024x32xf32, #tpu.memory_space<vmem>>) offsets(%dma_start3A_42 : memref<1024xi32, #tpu.memory_space<vmem>>) semaphore(%arg7 : memref<!tpu.dma_semaphore, #tpu.memory_space<semaphore_mem>>)
    %dma_wait3A_46 = arith.constant 1 : i32
    %dma_wait3A_47 = arith.constant 0 : i32
    %dma_wait3A_48 = arith.constant 0 : i32
    %dma_wait3A_49 = tpu.memref_slice %arg6[%dma_wait3A_46, %dma_wait3A_47, %dma_wait3A_48] : memref<2x1024x32xf32, #tpu.memory_space<vmem>> -> memref<1x1024x32xf32, #tpu.memory_space<vmem>>
    %dma_wait3A_50 = tpu.memref_squeeze %dma_wait3A_49 : memref<1x1024x32xf32, #tpu.memory_space<vmem>> -> memref<1024x32xf32, #tpu.memory_space<vmem>>
    %dma_wait3A_51 = arith.constant 1024 : i32
    %dma_wait3A_52 = tpu.memref_slice %arg5[%dma_wait3A_51] : memref<13312xi32, #tpu.memory_space<vmem>> -> memref<1024xi32, #tpu.memory_space<vmem>>
    %dma_wait3A_53 = arith.constant 0 : i32
    %dma_wait3A_54 = arith.constant 0 : i32
    %dma_wait3A_55 = tpu.memref_slice %arg3[%dma_wait3A_53, %dma_wait3A_54] : memref<1000000x32xf32, #tpu.memory_space<hbm>> -> memref<1000000x32xf32, #tpu.memory_space<hbm>>
    tpu.wait_indirect_dma semaphore(%arg7 : memref<!tpu.dma_semaphore, #tpu.memory_space<semaphore_mem>>) src(%dma_wait3A_55 : memref<1000000x32xf32, #tpu.memory_space<hbm>>) dst(%dma_wait3A_50 : memref<1024x32xf32, #tpu.memory_space<vmem>>)
    %add3A_56 = arith.constant 1024 : i32
    %add3A_57 = arith.addi %mul3A_2, %add3A_56 : i32
    %dma_start3A_58 = arith.constant 1 : i32
    %dma_start3A_59 = arith.constant 0 : i32
    %dma_start3A_60 = arith.constant 0 : i32
    %dma_start3A_61 = tpu.memref_slice %arg6[%dma_start3A_58, %dma_start3A_59, %dma_start3A_60] : memref<2x1024x32xf32, #tpu.memory_space<vmem>> -> memref<1x1024x32xf32, #tpu.memory_space<vmem>>
    %dma_start3A_62 = tpu.memref_squeeze %dma_start3A_61 : memref<1x1024x32xf32, #tpu.memory_space<vmem>> -> memref<1024x32xf32, #tpu.memory_space<vmem>>
    %dma_start3A_63 = arith.constant 0 : i32
    %dma_start3A_64 = tpu.memref_slice %arg4[%add3A_57, %dma_start3A_63] : memref<425984x32xf32, #tpu.memory_space<hbm>> -> memref<1024x32xf32, #tpu.memory_space<hbm>>
    %dma_start3A_65 = arith.constant 0 : i32
    %dma_start3A_66 = tpu.memref_slice %arg4[%add3A_57, %dma_start3A_65] : memref<425984x32xf32, #tpu.memory_space<hbm>> -> memref<1024x32xf32, #tpu.memory_space<hbm>>
    %dma_start3A_67 = arith.constant 0 : i32
    %dma_start3A_68 = arith.constant 0 : i32
    %dma_start3A_69 = tpu.memref_slice %arg6[%dma_start3A_58, %dma_start3A_67, %dma_start3A_68] : memref<2x1024x32xf32, #tpu.memory_space<vmem>> -> memref<1x1024x32xf32, #tpu.memory_space<vmem>>
    %dma_start3A_70 = tpu.memref_squeeze %dma_start3A_69 : memref<1x1024x32xf32, #tpu.memory_space<vmem>> -> memref<1024x32xf32, #tpu.memory_space<vmem>>
    tpu.enqueue_dma source(%dma_start3A_70 : memref<1024x32xf32, #tpu.memory_space<vmem>>) target(%dma_start3A_66 : memref<1024x32xf32, #tpu.memory_space<hbm>>) target_semaphore(%arg8 : memref<!tpu.dma_semaphore, #tpu.memory_space<semaphore_mem>>)
    %dma_wait3A_71 = arith.constant 0 : i32
    %dma_wait3A_72 = arith.constant 0 : i32
    %dma_wait3A_73 = arith.constant 0 : i32
    %dma_wait3A_74 = tpu.memref_slice %arg6[%dma_wait3A_71, %dma_wait3A_72, %dma_wait3A_73] : memref<2x1024x32xf32, #tpu.memory_space<vmem>> -> memref<1x1024x32xf32, #tpu.memory_space<vmem>>
    %dma_wait3A_75 = tpu.memref_squeeze %dma_wait3A_74 : memref<1x1024x32xf32, #tpu.memory_space<vmem>> -> memref<1024x32xf32, #tpu.memory_space<vmem>>
    %dma_wait3A_76 = arith.constant 0 : i32
    %dma_wait3A_77 = tpu.memref_slice %arg4[%add3A_22, %dma_wait3A_76] : memref<425984x32xf32, #tpu.memory_space<hbm>> -> memref<1024x32xf32, #tpu.memory_space<hbm>>
    %dma_wait3A_78 = arith.constant 0 : i32
    %dma_wait3A_79 = tpu.memref_slice %arg4[%add3A_22, %dma_wait3A_78] : memref<425984x32xf32, #tpu.memory_space<hbm>> -> memref<1024x32xf32, #tpu.memory_space<hbm>>
    %dma_wait3A_80 = arith.constant 0 : i32
    %dma_wait3A_81 = arith.constant 0 : i32
    %dma_wait3A_82 = tpu.memref_slice %arg6[%dma_wait3A_71, %dma_wait3A_80, %dma_wait3A_81] : memref<2x1024x32xf32, #tpu.memory_space<vmem>> -> memref<1x1024x32xf32, #tpu.memory_space<vmem>>
    %dma_wait3A_83 = tpu.memref_squeeze %dma_wait3A_82 : memref<1x1024x32xf32, #tpu.memory_space<vmem>> -> memref<1024x32xf32, #tpu.memory_space<vmem>>
    tpu.wait_dma2 semaphore(%arg8 : memref<!tpu.dma_semaphore, #tpu.memory_space<semaphore_mem>>) src(%dma_wait3A_83 : memref<1024x32xf32, #tpu.memory_space<vmem>>) dst(%dma_wait3A_79 : memref<1024x32xf32, #tpu.memory_space<hbm>>)
    %dma_start3A_84 = arith.constant 0 : i32
    %dma_start3A_85 = arith.constant 0 : i32
    %dma_start3A_86 = arith.constant 0 : i32
    %dma_start3A_87 = tpu.memref_slice %arg6[%dma_start3A_84, %dma_start3A_85, %dma_start3A_86] : memref<2x1024x32xf32, #tpu.memory_space<vmem>> -> memref<1x1024x32xf32, #tpu.memory_space<vmem>>
    %dma_start3A_88 = tpu.memref_squeeze %dma_start3A_87 : memref<1x1024x32xf32, #tpu.memory_space<vmem>> -> memref<1024x32xf32, #tpu.memory_space<vmem>>
    %dma_start3A_89 = arith.constant 2048 : i32
    %dma_start3A_90 = tpu.memref_slice %arg5[%dma_start3A_89] : memref<13312xi32, #tpu.memory_space<vmem>> -> memref<1024xi32, #tpu.memory_space<vmem>>
    %dma_start3A_91 = arith.constant 0 : i32
    %dma_start3A_92 = arith.constant 0 : i32
    %dma_start3A_93 = tpu.memref_slice %arg3[%dma_start3A_91, %dma_start3A_92] : memref<1000000x32xf32, #tpu.memory_space<hbm>> -> memref<1000000x32xf32, #tpu.memory_space<hbm>>
    tpu.enqueue_indirect_dma source(%dma_start3A_93 : memref<1000000x32xf32, #tpu.memory_space<hbm>>) target(%dma_start3A_88 : memref<1024x32xf32, #tpu.memory_space<vmem>>) offsets(%dma_start3A_90 : memref<1024xi32, #tpu.memory_space<vmem>>) semaphore(%arg7 : memref<!tpu.dma_semaphore, #tpu.memory_space<semaphore_mem>>)
    %dma_wait3A_94 = arith.constant 0 : i32
    %dma_wait3A_95 = arith.constant 0 : i32
    %dma_wait3A_96 = arith.constant 0 : i32
    %dma_wait3A_97 = tpu.memref_slice %arg6[%dma_wait3A_94, %dma_wait3A_95, %dma_wait3A_96] : memref<2x1024x32xf32, #tpu.memory_space<vmem>> -> memref<1x1024x32xf32, #tpu.memory_space<vmem>>
    %dma_wait3A_98 = tpu.memref_squeeze %dma_wait3A_97 : memref<1x1024x32xf32, #tpu.memory_space<vmem>> -> memref<1024x32xf32, #tpu.memory_space<vmem>>
    %dma_wait3A_99 = arith.constant 2048 : i32
    %dma_wait3A_100 = tpu.memref_slice %arg5[%dma_wait3A_99] : memref<13312xi32, #tpu.memory_space<vmem>> -> memref<1024xi32, #tpu.memory_space<vmem>>
    %dma_wait3A_101 = arith.constant 0 : i32
    %dma_wait3A_102 = arith.constant 0 : i32
    %dma_wait3A_103 = tpu.memref_slice %arg3[%dma_wait3A_101, %dma_wait3A_102] : memref<1000000x32xf32, #tpu.memory_space<hbm>> -> memref<1000000x32xf32, #tpu.memory_space<hbm>>
    tpu.wait_indirect_dma semaphore(%arg7 : memref<!tpu.dma_semaphore, #tpu.memory_space<semaphore_mem>>) src(%dma_wait3A_103 : memref<1000000x32xf32, #tpu.memory_space<hbm>>) dst(%dma_wait3A_98 : memref<1024x32xf32, #tpu.memory_space<vmem>>)
    %add3A_104 = arith.constant 2048 : i32
    %add3A_105 = arith.addi %mul3A_2, %add3A_104 : i32
    %dma_start3A_106 = arith.constant 0 : i32
    %dma_start3A_107 = arith.constant 0 : i32
    %dma_start3A_108 = arith.constant 0 : i32
    %dma_start3A_109 = tpu.memref_slice %arg6[%dma_start3A_106, %dma_start3A_107, %dma_start3A_108] : memref<2x1024x32xf32, #tpu.memory_space<vmem>> -> memref<1x1024x32xf32, #tpu.memory_space<vmem>>
    %dma_start3A_110 = tpu.memref_squeeze %dma_start3A_109 : memref<1x1024x32xf32, #tpu.memory_space<vmem>> -> memref<1024x32xf32, #tpu.memory_space<vmem>>
    %dma_start3A_111 = arith.constant 0 : i32
    %dma_start3A_112 = tpu.memref_slice %arg4[%add3A_105, %dma_start3A_111] : memref<425984x32xf32, #tpu.memory_space<hbm>> -> memref<1024x32xf32, #tpu.memory_space<hbm>>
    %dma_start3A_113 = arith.constant 0 : i32
    %dma_start3A_114 = tpu.memref_slice %arg4[%add3A_105, %dma_start3A_113] : memref<425984x32xf32, #tpu.memory_space<hbm>> -> memref<1024x32xf32, #tpu.memory_space<hbm>>
    %dma_start3A_115 = arith.constant 0 : i32
    %dma_start3A_116 = arith.constant 0 : i32
    %dma_start3A_117 = tpu.memref_slice %arg6[%dma_start3A_106, %dma_start3A_115, %dma_start3A_116] : memref<2x1024x32xf32, #tpu.memory_space<vmem>> -> memref<1x1024x32xf32, #tpu.memory_space<vmem>>
    %dma_start3A_118 = tpu.memref_squeeze %dma_start3A_117 : memref<1x1024x32xf32, #tpu.memory_space<vmem>> -> memref<1024x32xf32, #tpu.memory_space<vmem>>
    tpu.enqueue_dma source(%dma_start3A_118 : memref<1024x32xf32, #tpu.memory_space<vmem>>) target(%dma_start3A_114 : memref<1024x32xf32, #tpu.memory_space<hbm>>) target_semaphore(%arg8 : memref<!tpu.dma_semaphore, #tpu.memory_space<semaphore_mem>>)
    %dma_wait3A_119 = arith.constant 1 : i32
    %dma_wait3A_120 = arith.constant 0 : i32
    %dma_wait3A_121 = arith.constant 0 : i32
    %dma_wait3A_122 = tpu.memref_slice %arg6[%dma_wait3A_119, %dma_wait3A_120, %dma_wait3A_121] : memref<2x1024x32xf32, #tpu.memory_space<vmem>> -> memref<1x1024x32xf32, #tpu.memory_space<vmem>>
    %dma_wait3A_123 = tpu.memref_squeeze %dma_wait3A_122 : memref<1x1024x32xf32, #tpu.memory_space<vmem>> -> memref<1024x32xf32, #tpu.memory_space<vmem>>
    %dma_wait3A_124 = arith.constant 0 : i32
    %dma_wait3A_125 = tpu.memref_slice %arg4[%add3A_57, %dma_wait3A_124] : memref<425984x32xf32, #tpu.memory_space<hbm>> -> memref<1024x32xf32, #tpu.memory_space<hbm>>
    %dma_wait3A_126 = arith.constant 0 : i32
    %dma_wait3A_127 = tpu.memref_slice %arg4[%add3A_57, %dma_wait3A_126] : memref<425984x32xf32, #tpu.memory_space<hbm>> -> memref<1024x32xf32, #tpu.memory_space<hbm>>
    %dma_wait3A_128 = arith.constant 0 : i32
    %dma_wait3A_129 = arith.constant 0 : i32
    %dma_wait3A_130 = tpu.memref_slice %arg6[%dma_wait3A_119, %dma_wait3A_128, %dma_wait3A_129] : memref<2x1024x32xf32, #tpu.memory_space<vmem>> -> memref<1x1024x32xf32, #tpu.memory_space<vmem>>
    %dma_wait3A_131 = tpu.memref_squeeze %dma_wait3A_130 : memref<1x1024x32xf32, #tpu.memory_space<vmem>> -> memref<1024x32xf32, #tpu.memory_space<vmem>>
    tpu.wait_dma2 semaphore(%arg8 : memref<!tpu.dma_semaphore, #tpu.memory_space<semaphore_mem>>) src(%dma_wait3A_131 : memref<1024x32xf32, #tpu.memory_space<vmem>>) dst(%dma_wait3A_127 : memref<1024x32xf32, #tpu.memory_space<hbm>>)
    %dma_start3A_132 = arith.constant 1 : i32
    %dma_start3A_133 = arith.constant 0 : i32
    %dma_start3A_134 = arith.constant 0 : i32
    %dma_start3A_135 = tpu.memref_slice %arg6[%dma_start3A_132, %dma_start3A_133, %dma_start3A_134] : memref<2x1024x32xf32, #tpu.memory_space<vmem>> -> memref<1x1024x32xf32, #tpu.memory_space<vmem>>
    %dma_start3A_136 = tpu.memref_squeeze %dma_start3A_135 : memref<1x1024x32xf32, #tpu.memory_space<vmem>> -> memref<1024x32xf32, #tpu.memory_space<vmem>>
    %dma_start3A_137 = arith.constant 3072 : i32
    %dma_start3A_138 = tpu.memref_slice %arg5[%dma_start3A_137] : memref<13312xi32, #tpu.memory_space<vmem>> -> memref<1024xi32, #tpu.memory_space<vmem>>
    %dma_start3A_139 = arith.constant 0 : i32
    %dma_start3A_140 = arith.constant 0 : i32
    %dma_start3A_141 = tpu.memref_slice %arg3[%dma_start3A_139, %dma_start3A_140] : memref<1000000x32xf32, #tpu.memory_space<hbm>> -> memref<1000000x32xf32, #tpu.memory_space<hbm>>
    tpu.enqueue_indirect_dma source(%dma_start3A_141 : memref<1000000x32xf32, #tpu.memory_space<hbm>>) target(%dma_start3A_136 : memref<1024x32xf32, #tpu.memory_space<vmem>>) offsets(%dma_start3A_138 : memref<1024xi32, #tpu.memory_space<vmem>>) semaphore(%arg7 : memref<!tpu.dma_semaphore, #tpu.memory_space<semaphore_mem>>)
    %dma_wait3A_142 = arith.constant 1 : i32
    %dma_wait3A_143 = arith.constant 0 : i32
    %dma_wait3A_144 = arith.constant 0 : i32
    %dma_wait3A_145 = tpu.memref_slice %arg6[%dma_wait3A_142, %dma_wait3A_143, %dma_wait3A_144] : memref<2x1024x32xf32, #tpu.memory_space<vmem>> -> memref<1x1024x32xf32, #tpu.memory_space<vmem>>
    %dma_wait3A_146 = tpu.memref_squeeze %dma_wait3A_145 : memref<1x1024x32xf32, #tpu.memory_space<vmem>> -> memref<1024x32xf32, #tpu.memory_space<vmem>>
    %dma_wait3A_147 = arith.constant 3072 : i32
    %dma_wait3A_148 = tpu.memref_slice %arg5[%dma_wait3A_147] : memref<13312xi32, #tpu.memory_space<vmem>> -> memref<1024xi32, #tpu.memory_space<vmem>>
    %dma_wait3A_149 = arith.constant 0 : i32
    %dma_wait3A_150 = arith.constant 0 : i32
    %dma_wait3A_151 = tpu.memref_slice %arg3[%dma_wait3A_149, %dma_wait3A_150] : memref<1000000x32xf32, #tpu.memory_space<hbm>> -> memref<1000000x32xf32, #tpu.memory_space<hbm>>
    tpu.wait_indirect_dma semaphore(%arg7 : memref<!tpu.dma_semaphore, #tpu.memory_space<semaphore_mem>>) src(%dma_wait3A_151 : memref<1000000x32xf32, #tpu.memory_space<hbm>>) dst(%dma_wait3A_146 : memref<1024x32xf32, #tpu.memory_space<vmem>>)
    %add3A_152 = arith.constant 3072 : i32
    %add3A_153 = arith.addi %mul3A_2, %add3A_152 : i32
    %dma_start3A_154 = arith.constant 1 : i32
    %dma_start3A_155 = arith.constant 0 : i32
    %dma_start3A_156 = arith.constant 0 : i32
    %dma_start3A_157 = tpu.memref_slice %arg6[%dma_start3A_154, %dma_start3A_155, %dma_start3A_156] : memref<2x1024x32xf32, #tpu.memory_space<vmem>> -> memref<1x1024x32xf32, #tpu.memory_space<vmem>>
    %dma_start3A_158 = tpu.memref_squeeze %dma_start3A_157 : memref<1x1024x32xf32, #tpu.memory_space<vmem>> -> memref<1024x32xf32, #tpu.memory_space<vmem>>
    %dma_start3A_159 = arith.constant 0 : i32
    %dma_start3A_160 = tpu.memref_slice %arg4[%add3A_153, %dma_start3A_159] : memref<425984x32xf32, #tpu.memory_space<hbm>> -> memref<1024x32xf32, #tpu.memory_space<hbm>>
    %dma_start3A_161 = arith.constant 0 : i32
    %dma_start3A_162 = tpu.memref_slice %arg4[%add3A_153, %dma_start3A_161] : memref<425984x32xf32, #tpu.memory_space<hbm>> -> memref<1024x32xf32, #tpu.memory_space<hbm>>
    %dma_start3A_163 = arith.constant 0 : i32
    %dma_start3A_164 = arith.constant 0 : i32
    %dma_start3A_165 = tpu.memref_slice %arg6[%dma_start3A_154, %dma_start3A_163, %dma_start3A_164] : memref<2x1024x32xf32, #tpu.memory_space<vmem>> -> memref<1x1024x32xf32, #tpu.memory_space<vmem>>
    %dma_start3A_166 = tpu.memref_squeeze %dma_start3A_165 : memref<1x1024x32xf32, #tpu.memory_space<vmem>> -> memref<1024x32xf32, #tpu.memory_space<vmem>>
    tpu.enqueue_dma source(%dma_start3A_166 : memref<1024x32xf32, #tpu.memory_space<vmem>>) target(%dma_start3A_162 : memref<1024x32xf32, #tpu.memory_space<hbm>>) target_semaphore(%arg8 : memref<!tpu.dma_semaphore, #tpu.memory_space<semaphore_mem>>)
    %dma_wait3A_167 = arith.constant 0 : i32
    %dma_wait3A_168 = arith.constant 0 : i32
    %dma_wait3A_169 = arith.constant 0 : i32
    %dma_wait3A_170 = tpu.memref_slice %arg6[%dma_wait3A_167, %dma_wait3A_168, %dma_wait3A_169] : memref<2x1024x32xf32, #tpu.memory_space<vmem>> -> memref<1x1024x32xf32, #tpu.memory_space<vmem>>
    %dma_wait3A_171 = tpu.memref_squeeze %dma_wait3A_170 : memref<1x1024x32xf32, #tpu.memory_space<vmem>> -> memref<1024x32xf32, #tpu.memory_space<vmem>>
    %dma_wait3A_172 = arith.constant 0 : i32
    %dma_wait3A_173 = tpu.memref_slice %arg4[%add3A_105, %dma_wait3A_172] : memref<425984x32xf32, #tpu.memory_space<hbm>> -> memref<1024x32xf32, #tpu.memory_space<hbm>>
    %dma_wait3A_174 = arith.constant 0 : i32
    %dma_wait3A_175 = tpu.memref_slice %arg4[%add3A_105, %dma_wait3A_174] : memref<425984x32xf32, #tpu.memory_space<hbm>> -> memref<1024x32xf32, #tpu.memory_space<hbm>>
    %dma_wait3A_176 = arith.constant 0 : i32
    %dma_wait3A_177 = arith.constant 0 : i32
    %dma_wait3A_178 = tpu.memref_slice %arg6[%dma_wait3A_167, %dma_wait3A_176, %dma_wait3A_177] : memref<2x1024x32xf32, #tpu.memory_space<vmem>> -> memref<1x1024x32xf32, #tpu.memory_space<vmem>>
    %dma_wait3A_179 = tpu.memref_squeeze %dma_wait3A_178 : memref<1x1024x32xf32, #tpu.memory_space<vmem>> -> memref<1024x32xf32, #tpu.memory_space<vmem>>
    tpu.wait_dma2 semaphore(%arg8 : memref<!tpu.dma_semaphore, #tpu.memory_space<semaphore_mem>>) src(%dma_wait3A_179 : memref<1024x32xf32, #tpu.memory_space<vmem>>) dst(%dma_wait3A_175 : memref<1024x32xf32, #tpu.memory_space<hbm>>)
    %dma_start3A_180 = arith.constant 0 : i32
    %dma_start3A_181 = arith.constant 0 : i32
    %dma_start3A_182 = arith.constant 0 : i32
    %dma_start3A_183 = tpu.memref_slice %arg6[%dma_start3A_180, %dma_start3A_181, %dma_start3A_182] : memref<2x1024x32xf32, #tpu.memory_space<vmem>> -> memref<1x1024x32xf32, #tpu.memory_space<vmem>>
    %dma_start3A_184 = tpu.memref_squeeze %dma_start3A_183 : memref<1x1024x32xf32, #tpu.memory_space<vmem>> -> memref<1024x32xf32, #tpu.memory_space<vmem>>
    %dma_start3A_185 = arith.constant 4096 : i32
    %dma_start3A_186 = tpu.memref_slice %arg5[%dma_start3A_185] : memref<13312xi32, #tpu.memory_space<vmem>> -> memref<1024xi32, #tpu.memory_space<vmem>>
    %dma_start3A_187 = arith.constant 0 : i32
    %dma_start3A_188 = arith.constant 0 : i32
    %dma_start3A_189 = tpu.memref_slice %arg3[%dma_start3A_187, %dma_start3A_188] : memref<1000000x32xf32, #tpu.memory_space<hbm>> -> memref<1000000x32xf32, #tpu.memory_space<hbm>>
    tpu.enqueue_indirect_dma source(%dma_start3A_189 : memref<1000000x32xf32, #tpu.memory_space<hbm>>) target(%dma_start3A_184 : memref<1024x32xf32, #tpu.memory_space<vmem>>) offsets(%dma_start3A_186 : memref<1024xi32, #tpu.memory_space<vmem>>) semaphore(%arg7 : memref<!tpu.dma_semaphore, #tpu.memory_space<semaphore_mem>>)
    %dma_wait3A_190 = arith.constant 0 : i32
    %dma_wait3A_191 = arith.constant 0 : i32
    %dma_wait3A_192 = arith.constant 0 : i32
    %dma_wait3A_193 = tpu.memref_slice %arg6[%dma_wait3A_190, %dma_wait3A_191, %dma_wait3A_192] : memref<2x1024x32xf32, #tpu.memory_space<vmem>> -> memref<1x1024x32xf32, #tpu.memory_space<vmem>>
    %dma_wait3A_194 = tpu.memref_squeeze %dma_wait3A_193 : memref<1x1024x32xf32, #tpu.memory_space<vmem>> -> memref<1024x32xf32, #tpu.memory_space<vmem>>
    %dma_wait3A_195 = arith.constant 4096 : i32
    %dma_wait3A_196 = tpu.memref_slice %arg5[%dma_wait3A_195] : memref<13312xi32, #tpu.memory_space<vmem>> -> memref<1024xi32, #tpu.memory_space<vmem>>
    %dma_wait3A_197 = arith.constant 0 : i32
    %dma_wait3A_198 = arith.constant 0 : i32
    %dma_wait3A_199 = tpu.memref_slice %arg3[%dma_wait3A_197, %dma_wait3A_198] : memref<1000000x32xf32, #tpu.memory_space<hbm>> -> memref<1000000x32xf32, #tpu.memory_space<hbm>>
    tpu.wait_indirect_dma semaphore(%arg7 : memref<!tpu.dma_semaphore, #tpu.memory_space<semaphore_mem>>) src(%dma_wait3A_199 : memref<1000000x32xf32, #tpu.memory_space<hbm>>) dst(%dma_wait3A_194 : memref<1024x32xf32, #tpu.memory_space<vmem>>)
    %add3A_200 = arith.constant 4096 : i32
    %add3A_201 = arith.addi %mul3A_2, %add3A_200 : i32
    %dma_start3A_202 = arith.constant 0 : i32
    %dma_start3A_203 = arith.constant 0 : i32
    %dma_start3A_204 = arith.constant 0 : i32
    %dma_start3A_205 = tpu.memref_slice %arg6[%dma_start3A_202, %dma_start3A_203, %dma_start3A_204] : memref<2x1024x32xf32, #tpu.memory_space<vmem>> -> memref<1x1024x32xf32, #tpu.memory_space<vmem>>
    %dma_start3A_206 = tpu.memref_squeeze %dma_start3A_205 : memref<1x1024x32xf32, #tpu.memory_space<vmem>> -> memref<1024x32xf32, #tpu.memory_space<vmem>>
    %dma_start3A_207 = arith.constant 0 : i32
    %dma_start3A_208 = tpu.memref_slice %arg4[%add3A_201, %dma_start3A_207] : memref<425984x32xf32, #tpu.memory_space<hbm>> -> memref<1024x32xf32, #tpu.memory_space<hbm>>
    %dma_start3A_209 = arith.constant 0 : i32
    %dma_start3A_210 = tpu.memref_slice %arg4[%add3A_201, %dma_start3A_209] : memref<425984x32xf32, #tpu.memory_space<hbm>> -> memref<1024x32xf32, #tpu.memory_space<hbm>>
    %dma_start3A_211 = arith.constant 0 : i32
    %dma_start3A_212 = arith.constant 0 : i32
    %dma_start3A_213 = tpu.memref_slice %arg6[%dma_start3A_202, %dma_start3A_211, %dma_start3A_212] : memref<2x1024x32xf32, #tpu.memory_space<vmem>> -> memref<1x1024x32xf32, #tpu.memory_space<vmem>>
    %dma_start3A_214 = tpu.memref_squeeze %dma_start3A_213 : memref<1x1024x32xf32, #tpu.memory_space<vmem>> -> memref<1024x32xf32, #tpu.memory_space<vmem>>
    tpu.enqueue_dma source(%dma_start3A_214 : memref<1024x32xf32, #tpu.memory_space<vmem>>) target(%dma_start3A_210 : memref<1024x32xf32, #tpu.memory_space<hbm>>) target_semaphore(%arg8 : memref<!tpu.dma_semaphore, #tpu.memory_space<semaphore_mem>>)
    %dma_wait3A_215 = arith.constant 1 : i32
    %dma_wait3A_216 = arith.constant 0 : i32
    %dma_wait3A_217 = arith.constant 0 : i32
    %dma_wait3A_218 = tpu.memref_slice %arg6[%dma_wait3A_215, %dma_wait3A_216, %dma_wait3A_217] : memref<2x1024x32xf32, #tpu.memory_space<vmem>> -> memref<1x1024x32xf32, #tpu.memory_space<vmem>>
    %dma_wait3A_219 = tpu.memref_squeeze %dma_wait3A_218 : memref<1x1024x32xf32, #tpu.memory_space<vmem>> -> memref<1024x32xf32, #tpu.memory_space<vmem>>
    %dma_wait3A_220 = arith.constant 0 : i32
    %dma_wait3A_221 = tpu.memref_slice %arg4[%add3A_153, %dma_wait3A_220] : memref<425984x32xf32, #tpu.memory_space<hbm>> -> memref<1024x32xf32, #tpu.memory_space<hbm>>
    %dma_wait3A_222 = arith.constant 0 : i32
    %dma_wait3A_223 = tpu.memref_slice %arg4[%add3A_153, %dma_wait3A_222] : memref<425984x32xf32, #tpu.memory_space<hbm>> -> memref<1024x32xf32, #tpu.memory_space<hbm>>
    %dma_wait3A_224 = arith.constant 0 : i32
    %dma_wait3A_225 = arith.constant 0 : i32
    %dma_wait3A_226 = tpu.memref_slice %arg6[%dma_wait3A_215, %dma_wait3A_224, %dma_wait3A_225] : memref<2x1024x32xf32, #tpu.memory_space<vmem>> -> memref<1x1024x32xf32, #tpu.memory_space<vmem>>
    %dma_wait3A_227 = tpu.memref_squeeze %dma_wait3A_226 : memref<1x1024x32xf32, #tpu.memory_space<vmem>> -> memref<1024x32xf32, #tpu.memory_space<vmem>>
    tpu.wait_dma2 semaphore(%arg8 : memref<!tpu.dma_semaphore, #tpu.memory_space<semaphore_mem>>) src(%dma_wait3A_227 : memref<1024x32xf32, #tpu.memory_space<vmem>>) dst(%dma_wait3A_223 : memref<1024x32xf32, #tpu.memory_space<hbm>>)
    %dma_start3A_228 = arith.constant 1 : i32
    %dma_start3A_229 = arith.constant 0 : i32
    %dma_start3A_230 = arith.constant 0 : i32
    %dma_start3A_231 = tpu.memref_slice %arg6[%dma_start3A_228, %dma_start3A_229, %dma_start3A_230] : memref<2x1024x32xf32, #tpu.memory_space<vmem>> -> memref<1x1024x32xf32, #tpu.memory_space<vmem>>
    %dma_start3A_232 = tpu.memref_squeeze %dma_start3A_231 : memref<1x1024x32xf32, #tpu.memory_space<vmem>> -> memref<1024x32xf32, #tpu.memory_space<vmem>>
    %dma_start3A_233 = arith.constant 5120 : i32
    %dma_start3A_234 = tpu.memref_slice %arg5[%dma_start3A_233] : memref<13312xi32, #tpu.memory_space<vmem>> -> memref<1024xi32, #tpu.memory_space<vmem>>
    %dma_start3A_235 = arith.constant 0 : i32
    %dma_start3A_236 = arith.constant 0 : i32
    %dma_start3A_237 = tpu.memref_slice %arg3[%dma_start3A_235, %dma_start3A_236] : memref<1000000x32xf32, #tpu.memory_space<hbm>> -> memref<1000000x32xf32, #tpu.memory_space<hbm>>
    tpu.enqueue_indirect_dma source(%dma_start3A_237 : memref<1000000x32xf32, #tpu.memory_space<hbm>>) target(%dma_start3A_232 : memref<1024x32xf32, #tpu.memory_space<vmem>>) offsets(%dma_start3A_234 : memref<1024xi32, #tpu.memory_space<vmem>>) semaphore(%arg7 : memref<!tpu.dma_semaphore, #tpu.memory_space<semaphore_mem>>)
    %dma_wait3A_238 = arith.constant 1 : i32
    %dma_wait3A_239 = arith.constant 0 : i32
    %dma_wait3A_240 = arith.constant 0 : i32
    %dma_wait3A_241 = tpu.memref_slice %arg6[%dma_wait3A_238, %dma_wait3A_239, %dma_wait3A_240] : memref<2x1024x32xf32, #tpu.memory_space<vmem>> -> memref<1x1024x32xf32, #tpu.memory_space<vmem>>
    %dma_wait3A_242 = tpu.memref_squeeze %dma_wait3A_241 : memref<1x1024x32xf32, #tpu.memory_space<vmem>> -> memref<1024x32xf32, #tpu.memory_space<vmem>>
    %dma_wait3A_243 = arith.constant 5120 : i32
    %dma_wait3A_244 = tpu.memref_slice %arg5[%dma_wait3A_243] : memref<13312xi32, #tpu.memory_space<vmem>> -> memref<1024xi32, #tpu.memory_space<vmem>>
    %dma_wait3A_245 = arith.constant 0 : i32
    %dma_wait3A_246 = arith.constant 0 : i32
    %dma_wait3A_247 = tpu.memref_slice %arg3[%dma_wait3A_245, %dma_wait3A_246] : memref<1000000x32xf32, #tpu.memory_space<hbm>> -> memref<1000000x32xf32, #tpu.memory_space<hbm>>
    tpu.wait_indirect_dma semaphore(%arg7 : memref<!tpu.dma_semaphore, #tpu.memory_space<semaphore_mem>>) src(%dma_wait3A_247 : memref<1000000x32xf32, #tpu.memory_space<hbm>>) dst(%dma_wait3A_242 : memref<1024x32xf32, #tpu.memory_space<vmem>>)
    %add3A_248 = arith.constant 5120 : i32
    %add3A_249 = arith.addi %mul3A_2, %add3A_248 : i32
    %dma_start3A_250 = arith.constant 1 : i32
    %dma_start3A_251 = arith.constant 0 : i32
    %dma_start3A_252 = arith.constant 0 : i32
    %dma_start3A_253 = tpu.memref_slice %arg6[%dma_start3A_250, %dma_start3A_251, %dma_start3A_252] : memref<2x1024x32xf32, #tpu.memory_space<vmem>> -> memref<1x1024x32xf32, #tpu.memory_space<vmem>>
    %dma_start3A_254 = tpu.memref_squeeze %dma_start3A_253 : memref<1x1024x32xf32, #tpu.memory_space<vmem>> -> memref<1024x32xf32, #tpu.memory_space<vmem>>
    %dma_start3A_255 = arith.constant 0 : i32
    %dma_start3A_256 = tpu.memref_slice %arg4[%add3A_249, %dma_start3A_255] : memref<425984x32xf32, #tpu.memory_space<hbm>> -> memref<1024x32xf32, #tpu.memory_space<hbm>>
    %dma_start3A_257 = arith.constant 0 : i32
    %dma_start3A_258 = tpu.memref_slice %arg4[%add3A_249, %dma_start3A_257] : memref<425984x32xf32, #tpu.memory_space<hbm>> -> memref<1024x32xf32, #tpu.memory_space<hbm>>
    %dma_start3A_259 = arith.constant 0 : i32
    %dma_start3A_260 = arith.constant 0 : i32
    %dma_start3A_261 = tpu.memref_slice %arg6[%dma_start3A_250, %dma_start3A_259, %dma_start3A_260] : memref<2x1024x32xf32, #tpu.memory_space<vmem>> -> memref<1x1024x32xf32, #tpu.memory_space<vmem>>
    %dma_start3A_262 = tpu.memref_squeeze %dma_start3A_261 : memref<1x1024x32xf32, #tpu.memory_space<vmem>> -> memref<1024x32xf32, #tpu.memory_space<vmem>>
    tpu.enqueue_dma source(%dma_start3A_262 : memref<1024x32xf32, #tpu.memory_space<vmem>>) target(%dma_start3A_258 : memref<1024x32xf32, #tpu.memory_space<hbm>>) target_semaphore(%arg8 : memref<!tpu.dma_semaphore, #tpu.memory_space<semaphore_mem>>)
    %dma_wait3A_263 = arith.constant 0 : i32
    %dma_wait3A_264 = arith.constant 0 : i32
    %dma_wait3A_265 = arith.constant 0 : i32
    %dma_wait3A_266 = tpu.memref_slice %arg6[%dma_wait3A_263, %dma_wait3A_264, %dma_wait3A_265] : memref<2x1024x32xf32, #tpu.memory_space<vmem>> -> memref<1x1024x32xf32, #tpu.memory_space<vmem>>
    %dma_wait3A_267 = tpu.memref_squeeze %dma_wait3A_266 : memref<1x1024x32xf32, #tpu.memory_space<vmem>> -> memref<1024x32xf32, #tpu.memory_space<vmem>>
    %dma_wait3A_268 = arith.constant 0 : i32
    %dma_wait3A_269 = tpu.memref_slice %arg4[%add3A_201, %dma_wait3A_268] : memref<425984x32xf32, #tpu.memory_space<hbm>> -> memref<1024x32xf32, #tpu.memory_space<hbm>>
    %dma_wait3A_270 = arith.constant 0 : i32
    %dma_wait3A_271 = tpu.memref_slice %arg4[%add3A_201, %dma_wait3A_270] : memref<425984x32xf32, #tpu.memory_space<hbm>> -> memref<1024x32xf32, #tpu.memory_space<hbm>>
    %dma_wait3A_272 = arith.constant 0 : i32
    %dma_wait3A_273 = arith.constant 0 : i32
    %dma_wait3A_274 = tpu.memref_slice %arg6[%dma_wait3A_263, %dma_wait3A_272, %dma_wait3A_273] : memref<2x1024x32xf32, #tpu.memory_space<vmem>> -> memref<1x1024x32xf32, #tpu.memory_space<vmem>>
    %dma_wait3A_275 = tpu.memref_squeeze %dma_wait3A_274 : memref<1x1024x32xf32, #tpu.memory_space<vmem>> -> memref<1024x32xf32, #tpu.memory_space<vmem>>
    tpu.wait_dma2 semaphore(%arg8 : memref<!tpu.dma_semaphore, #tpu.memory_space<semaphore_mem>>) src(%dma_wait3A_275 : memref<1024x32xf32, #tpu.memory_space<vmem>>) dst(%dma_wait3A_271 : memref<1024x32xf32, #tpu.memory_space<hbm>>)
    %dma_start3A_276 = arith.constant 0 : i32
    %dma_start3A_277 = arith.constant 0 : i32
    %dma_start3A_278 = arith.constant 0 : i32
    %dma_start3A_279 = tpu.memref_slice %arg6[%dma_start3A_276, %dma_start3A_277, %dma_start3A_278] : memref<2x1024x32xf32, #tpu.memory_space<vmem>> -> memref<1x1024x32xf32, #tpu.memory_space<vmem>>
    %dma_start3A_280 = tpu.memref_squeeze %dma_start3A_279 : memref<1x1024x32xf32, #tpu.memory_space<vmem>> -> memref<1024x32xf32, #tpu.memory_space<vmem>>
    %dma_start3A_281 = arith.constant 6144 : i32
    %dma_start3A_282 = tpu.memref_slice %arg5[%dma_start3A_281] : memref<13312xi32, #tpu.memory_space<vmem>> -> memref<1024xi32, #tpu.memory_space<vmem>>
    %dma_start3A_283 = arith.constant 0 : i32
    %dma_start3A_284 = arith.constant 0 : i32
    %dma_start3A_285 = tpu.memref_slice %arg3[%dma_start3A_283, %dma_start3A_284] : memref<1000000x32xf32, #tpu.memory_space<hbm>> -> memref<1000000x32xf32, #tpu.memory_space<hbm>>
    tpu.enqueue_indirect_dma source(%dma_start3A_285 : memref<1000000x32xf32, #tpu.memory_space<hbm>>) target(%dma_start3A_280 : memref<1024x32xf32, #tpu.memory_space<vmem>>) offsets(%dma_start3A_282 : memref<1024xi32, #tpu.memory_space<vmem>>) semaphore(%arg7 : memref<!tpu.dma_semaphore, #tpu.memory_space<semaphore_mem>>)
    %dma_wait3A_286 = arith.constant 0 : i32
    %dma_wait3A_287 = arith.constant 0 : i32
    %dma_wait3A_288 = arith.constant 0 : i32
    %dma_wait3A_289 = tpu.memref_slice %arg6[%dma_wait3A_286, %dma_wait3A_287, %dma_wait3A_288] : memref<2x1024x32xf32, #tpu.memory_space<vmem>> -> memref<1x1024x32xf32, #tpu.memory_space<vmem>>
    %dma_wait3A_290 = tpu.memref_squeeze %dma_wait3A_289 : memref<1x1024x32xf32, #tpu.memory_space<vmem>> -> memref<1024x32xf32, #tpu.memory_space<vmem>>
    %dma_wait3A_291 = arith.constant 6144 : i32
    %dma_wait3A_292 = tpu.memref_slice %arg5[%dma_wait3A_291] : memref<13312xi32, #tpu.memory_space<vmem>> -> memref<1024xi32, #tpu.memory_space<vmem>>
    %dma_wait3A_293 = arith.constant 0 : i32
    %dma_wait3A_294 = arith.constant 0 : i32
    %dma_wait3A_295 = tpu.memref_slice %arg3[%dma_wait3A_293, %dma_wait3A_294] : memref<1000000x32xf32, #tpu.memory_space<hbm>> -> memref<1000000x32xf32, #tpu.memory_space<hbm>>
    tpu.wait_indirect_dma semaphore(%arg7 : memref<!tpu.dma_semaphore, #tpu.memory_space<semaphore_mem>>) src(%dma_wait3A_295 : memref<1000000x32xf32, #tpu.memory_space<hbm>>) dst(%dma_wait3A_290 : memref<1024x32xf32, #tpu.memory_space<vmem>>)
    %add3A_296 = arith.constant 6144 : i32
    %add3A_297 = arith.addi %mul3A_2, %add3A_296 : i32
    %dma_start3A_298 = arith.constant 0 : i32
    %dma_start3A_299 = arith.constant 0 : i32
    %dma_start3A_300 = arith.constant 0 : i32
    %dma_start3A_301 = tpu.memref_slice %arg6[%dma_start3A_298, %dma_start3A_299, %dma_start3A_300] : memref<2x1024x32xf32, #tpu.memory_space<vmem>> -> memref<1x1024x32xf32, #tpu.memory_space<vmem>>
    %dma_start3A_302 = tpu.memref_squeeze %dma_start3A_301 : memref<1x1024x32xf32, #tpu.memory_space<vmem>> -> memref<1024x32xf32, #tpu.memory_space<vmem>>
    %dma_start3A_303 = arith.constant 0 : i32
    %dma_start3A_304 = tpu.memref_slice %arg4[%add3A_297, %dma_start3A_303] : memref<425984x32xf32, #tpu.memory_space<hbm>> -> memref<1024x32xf32, #tpu.memory_space<hbm>>
    %dma_start3A_305 = arith.constant 0 : i32
    %dma_start3A_306 = tpu.memref_slice %arg4[%add3A_297, %dma_start3A_305] : memref<425984x32xf32, #tpu.memory_space<hbm>> -> memref<1024x32xf32, #tpu.memory_space<hbm>>
    %dma_start3A_307 = arith.constant 0 : i32
    %dma_start3A_308 = arith.constant 0 : i32
    %dma_start3A_309 = tpu.memref_slice %arg6[%dma_start3A_298, %dma_start3A_307, %dma_start3A_308] : memref<2x1024x32xf32, #tpu.memory_space<vmem>> -> memref<1x1024x32xf32, #tpu.memory_space<vmem>>
    %dma_start3A_310 = tpu.memref_squeeze %dma_start3A_309 : memref<1x1024x32xf32, #tpu.memory_space<vmem>> -> memref<1024x32xf32, #tpu.memory_space<vmem>>
    tpu.enqueue_dma source(%dma_start3A_310 : memref<1024x32xf32, #tpu.memory_space<vmem>>) target(%dma_start3A_306 : memref<1024x32xf32, #tpu.memory_space<hbm>>) target_semaphore(%arg8 : memref<!tpu.dma_semaphore, #tpu.memory_space<semaphore_mem>>)
    %dma_wait3A_311 = arith.constant 1 : i32
    %dma_wait3A_312 = arith.constant 0 : i32
    %dma_wait3A_313 = arith.constant 0 : i32
    %dma_wait3A_314 = tpu.memref_slice %arg6[%dma_wait3A_311, %dma_wait3A_312, %dma_wait3A_313] : memref<2x1024x32xf32, #tpu.memory_space<vmem>> -> memref<1x1024x32xf32, #tpu.memory_space<vmem>>
    %dma_wait3A_315 = tpu.memref_squeeze %dma_wait3A_314 : memref<1x1024x32xf32, #tpu.memory_space<vmem>> -> memref<1024x32xf32, #tpu.memory_space<vmem>>
    %dma_wait3A_316 = arith.constant 0 : i32
    %dma_wait3A_317 = tpu.memref_slice %arg4[%add3A_249, %dma_wait3A_316] : memref<425984x32xf32, #tpu.memory_space<hbm>> -> memref<1024x32xf32, #tpu.memory_space<hbm>>
    %dma_wait3A_318 = arith.constant 0 : i32
    %dma_wait3A_319 = tpu.memref_slice %arg4[%add3A_249, %dma_wait3A_318] : memref<425984x32xf32, #tpu.memory_space<hbm>> -> memref<1024x32xf32, #tpu.memory_space<hbm>>
    %dma_wait3A_320 = arith.constant 0 : i32
    %dma_wait3A_321 = arith.constant 0 : i32
    %dma_wait3A_322 = tpu.memref_slice %arg6[%dma_wait3A_311, %dma_wait3A_320, %dma_wait3A_321] : memref<2x1024x32xf32, #tpu.memory_space<vmem>> -> memref<1x1024x32xf32, #tpu.memory_space<vmem>>
    %dma_wait3A_323 = tpu.memref_squeeze %dma_wait3A_322 : memref<1x1024x32xf32, #tpu.memory_space<vmem>> -> memref<1024x32xf32, #tpu.memory_space<vmem>>
    tpu.wait_dma2 semaphore(%arg8 : memref<!tpu.dma_semaphore, #tpu.memory_space<semaphore_mem>>) src(%dma_wait3A_323 : memref<1024x32xf32, #tpu.memory_space<vmem>>) dst(%dma_wait3A_319 : memref<1024x32xf32, #tpu.memory_space<hbm>>)
    %dma_start3A_324 = arith.constant 1 : i32
    %dma_start3A_325 = arith.constant 0 : i32
    %dma_start3A_326 = arith.constant 0 : i32
    %dma_start3A_327 = tpu.memref_slice %arg6[%dma_start3A_324, %dma_start3A_325, %dma_start3A_326] : memref<2x1024x32xf32, #tpu.memory_space<vmem>> -> memref<1x1024x32xf32, #tpu.memory_space<vmem>>
    %dma_start3A_328 = tpu.memref_squeeze %dma_start3A_327 : memref<1x1024x32xf32, #tpu.memory_space<vmem>> -> memref<1024x32xf32, #tpu.memory_space<vmem>>
    %dma_start3A_329 = arith.constant 7168 : i32
    %dma_start3A_330 = tpu.memref_slice %arg5[%dma_start3A_329] : memref<13312xi32, #tpu.memory_space<vmem>> -> memref<1024xi32, #tpu.memory_space<vmem>>
    %dma_start3A_331 = arith.constant 0 : i32
    %dma_start3A_332 = arith.constant 0 : i32
    %dma_start3A_333 = tpu.memref_slice %arg3[%dma_start3A_331, %dma_start3A_332] : memref<1000000x32xf32, #tpu.memory_space<hbm>> -> memref<1000000x32xf32, #tpu.memory_space<hbm>>
    tpu.enqueue_indirect_dma source(%dma_start3A_333 : memref<1000000x32xf32, #tpu.memory_space<hbm>>) target(%dma_start3A_328 : memref<1024x32xf32, #tpu.memory_space<vmem>>) offsets(%dma_start3A_330 : memref<1024xi32, #tpu.memory_space<vmem>>) semaphore(%arg7 : memref<!tpu.dma_semaphore, #tpu.memory_space<semaphore_mem>>)
    %dma_wait3A_334 = arith.constant 1 : i32
    %dma_wait3A_335 = arith.constant 0 : i32
    %dma_wait3A_336 = arith.constant 0 : i32
    %dma_wait3A_337 = tpu.memref_slice %arg6[%dma_wait3A_334, %dma_wait3A_335, %dma_wait3A_336] : memref<2x1024x32xf32, #tpu.memory_space<vmem>> -> memref<1x1024x32xf32, #tpu.memory_space<vmem>>
    %dma_wait3A_338 = tpu.memref_squeeze %dma_wait3A_337 : memref<1x1024x32xf32, #tpu.memory_space<vmem>> -> memref<1024x32xf32, #tpu.memory_space<vmem>>
    %dma_wait3A_339 = arith.constant 7168 : i32
    %dma_wait3A_340 = tpu.memref_slice %arg5[%dma_wait3A_339] : memref<13312xi32, #tpu.memory_space<vmem>> -> memref<1024xi32, #tpu.memory_space<vmem>>
    %dma_wait3A_341 = arith.constant 0 : i32
    %dma_wait3A_342 = arith.constant 0 : i32
    %dma_wait3A_343 = tpu.memref_slice %arg3[%dma_wait3A_341, %dma_wait3A_342] : memref<1000000x32xf32, #tpu.memory_space<hbm>> -> memref<1000000x32xf32, #tpu.memory_space<hbm>>
    tpu.wait_indirect_dma semaphore(%arg7 : memref<!tpu.dma_semaphore, #tpu.memory_space<semaphore_mem>>) src(%dma_wait3A_343 : memref<1000000x32xf32, #tpu.memory_space<hbm>>) dst(%dma_wait3A_338 : memref<1024x32xf32, #tpu.memory_space<vmem>>)
    %add3A_344 = arith.constant 7168 : i32
    %add3A_345 = arith.addi %mul3A_2, %add3A_344 : i32
    %dma_start3A_346 = arith.constant 1 : i32
    %dma_start3A_347 = arith.constant 0 : i32
    %dma_start3A_348 = arith.constant 0 : i32
    %dma_start3A_349 = tpu.memref_slice %arg6[%dma_start3A_346, %dma_start3A_347, %dma_start3A_348] : memref<2x1024x32xf32, #tpu.memory_space<vmem>> -> memref<1x1024x32xf32, #tpu.memory_space<vmem>>
    %dma_start3A_350 = tpu.memref_squeeze %dma_start3A_349 : memref<1x1024x32xf32, #tpu.memory_space<vmem>> -> memref<1024x32xf32, #tpu.memory_space<vmem>>
    %dma_start3A_351 = arith.constant 0 : i32
    %dma_start3A_352 = tpu.memref_slice %arg4[%add3A_345, %dma_start3A_351] : memref<425984x32xf32, #tpu.memory_space<hbm>> -> memref<1024x32xf32, #tpu.memory_space<hbm>>
    %dma_start3A_353 = arith.constant 0 : i32
    %dma_start3A_354 = tpu.memref_slice %arg4[%add3A_345, %dma_start3A_353] : memref<425984x32xf32, #tpu.memory_space<hbm>> -> memref<1024x32xf32, #tpu.memory_space<hbm>>
    %dma_start3A_355 = arith.constant 0 : i32
    %dma_start3A_356 = arith.constant 0 : i32
    %dma_start3A_357 = tpu.memref_slice %arg6[%dma_start3A_346, %dma_start3A_355, %dma_start3A_356] : memref<2x1024x32xf32, #tpu.memory_space<vmem>> -> memref<1x1024x32xf32, #tpu.memory_space<vmem>>
    %dma_start3A_358 = tpu.memref_squeeze %dma_start3A_357 : memref<1x1024x32xf32, #tpu.memory_space<vmem>> -> memref<1024x32xf32, #tpu.memory_space<vmem>>
    tpu.enqueue_dma source(%dma_start3A_358 : memref<1024x32xf32, #tpu.memory_space<vmem>>) target(%dma_start3A_354 : memref<1024x32xf32, #tpu.memory_space<hbm>>) target_semaphore(%arg8 : memref<!tpu.dma_semaphore, #tpu.memory_space<semaphore_mem>>)
    %dma_wait3A_359 = arith.constant 0 : i32
    %dma_wait3A_360 = arith.constant 0 : i32
    %dma_wait3A_361 = arith.constant 0 : i32
    %dma_wait3A_362 = tpu.memref_slice %arg6[%dma_wait3A_359, %dma_wait3A_360, %dma_wait3A_361] : memref<2x1024x32xf32, #tpu.memory_space<vmem>> -> memref<1x1024x32xf32, #tpu.memory_space<vmem>>
    %dma_wait3A_363 = tpu.memref_squeeze %dma_wait3A_362 : memref<1x1024x32xf32, #tpu.memory_space<vmem>> -> memref<1024x32xf32, #tpu.memory_space<vmem>>
    %dma_wait3A_364 = arith.constant 0 : i32
    %dma_wait3A_365 = tpu.memref_slice %arg4[%add3A_297, %dma_wait3A_364] : memref<425984x32xf32, #tpu.memory_space<hbm>> -> memref<1024x32xf32, #tpu.memory_space<hbm>>
    %dma_wait3A_366 = arith.constant 0 : i32
    %dma_wait3A_367 = tpu.memref_slice %arg4[%add3A_297, %dma_wait3A_366] : memref<425984x32xf32, #tpu.memory_space<hbm>> -> memref<1024x32xf32, #tpu.memory_space<hbm>>
    %dma_wait3A_368 = arith.constant 0 : i32
    %dma_wait3A_369 = arith.constant 0 : i32
    %dma_wait3A_370 = tpu.memref_slice %arg6[%dma_wait3A_359, %dma_wait3A_368, %dma_wait3A_369] : memref<2x1024x32xf32, #tpu.memory_space<vmem>> -> memref<1x1024x32xf32, #tpu.memory_space<vmem>>
    %dma_wait3A_371 = tpu.memref_squeeze %dma_wait3A_370 : memref<1x1024x32xf32, #tpu.memory_space<vmem>> -> memref<1024x32xf32, #tpu.memory_space<vmem>>
    tpu.wait_dma2 semaphore(%arg8 : memref<!tpu.dma_semaphore, #tpu.memory_space<semaphore_mem>>) src(%dma_wait3A_371 : memref<1024x32xf32, #tpu.memory_space<vmem>>) dst(%dma_wait3A_367 : memref<1024x32xf32, #tpu.memory_space<hbm>>)
    %dma_start3A_372 = arith.constant 0 : i32
    %dma_start3A_373 = arith.constant 0 : i32
    %dma_start3A_374 = arith.constant 0 : i32
    %dma_start3A_375 = tpu.memref_slice %arg6[%dma_start3A_372, %dma_start3A_373, %dma_start3A_374] : memref<2x1024x32xf32, #tpu.memory_space<vmem>> -> memref<1x1024x32xf32, #tpu.memory_space<vmem>>
    %dma_start3A_376 = tpu.memref_squeeze %dma_start3A_375 : memref<1x1024x32xf32, #tpu.memory_space<vmem>> -> memref<1024x32xf32, #tpu.memory_space<vmem>>
    %dma_start3A_377 = arith.constant 8192 : i32
    %dma_start3A_378 = tpu.memref_slice %arg5[%dma_start3A_377] : memref<13312xi32, #tpu.memory_space<vmem>> -> memref<1024xi32, #tpu.memory_space<vmem>>
    %dma_start3A_379 = arith.constant 0 : i32
    %dma_start3A_380 = arith.constant 0 : i32
    %dma_start3A_381 = tpu.memref_slice %arg3[%dma_start3A_379, %dma_start3A_380] : memref<1000000x32xf32, #tpu.memory_space<hbm>> -> memref<1000000x32xf32, #tpu.memory_space<hbm>>
    tpu.enqueue_indirect_dma source(%dma_start3A_381 : memref<1000000x32xf32, #tpu.memory_space<hbm>>) target(%dma_start3A_376 : memref<1024x32xf32, #tpu.memory_space<vmem>>) offsets(%dma_start3A_378 : memref<1024xi32, #tpu.memory_space<vmem>>) semaphore(%arg7 : memref<!tpu.dma_semaphore, #tpu.memory_space<semaphore_mem>>)
    %dma_wait3A_382 = arith.constant 0 : i32
    %dma_wait3A_383 = arith.constant 0 : i32
    %dma_wait3A_384 = arith.constant 0 : i32
    %dma_wait3A_385 = tpu.memref_slice %arg6[%dma_wait3A_382, %dma_wait3A_383, %dma_wait3A_384] : memref<2x1024x32xf32, #tpu.memory_space<vmem>> -> memref<1x1024x32xf32, #tpu.memory_space<vmem>>
    %dma_wait3A_386 = tpu.memref_squeeze %dma_wait3A_385 : memref<1x1024x32xf32, #tpu.memory_space<vmem>> -> memref<1024x32xf32, #tpu.memory_space<vmem>>
    %dma_wait3A_387 = arith.constant 8192 : i32
    %dma_wait3A_388 = tpu.memref_slice %arg5[%dma_wait3A_387] : memref<13312xi32, #tpu.memory_space<vmem>> -> memref<1024xi32, #tpu.memory_space<vmem>>
    %dma_wait3A_389 = arith.constant 0 : i32
    %dma_wait3A_390 = arith.constant 0 : i32
    %dma_wait3A_391 = tpu.memref_slice %arg3[%dma_wait3A_389, %dma_wait3A_390] : memref<1000000x32xf32, #tpu.memory_space<hbm>> -> memref<1000000x32xf32, #tpu.memory_space<hbm>>
    tpu.wait_indirect_dma semaphore(%arg7 : memref<!tpu.dma_semaphore, #tpu.memory_space<semaphore_mem>>) src(%dma_wait3A_391 : memref<1000000x32xf32, #tpu.memory_space<hbm>>) dst(%dma_wait3A_386 : memref<1024x32xf32, #tpu.memory_space<vmem>>)
    %add3A_392 = arith.constant 8192 : i32
    %add3A_393 = arith.addi %mul3A_2, %add3A_392 : i32
    %dma_start3A_394 = arith.constant 0 : i32
    %dma_start3A_395 = arith.constant 0 : i32
    %dma_start3A_396 = arith.constant 0 : i32
    %dma_start3A_397 = tpu.memref_slice %arg6[%dma_start3A_394, %dma_start3A_395, %dma_start3A_396] : memref<2x1024x32xf32, #tpu.memory_space<vmem>> -> memref<1x1024x32xf32, #tpu.memory_space<vmem>>
    %dma_start3A_398 = tpu.memref_squeeze %dma_start3A_397 : memref<1x1024x32xf32, #tpu.memory_space<vmem>> -> memref<1024x32xf32, #tpu.memory_space<vmem>>
    %dma_start3A_399 = arith.constant 0 : i32
    %dma_start3A_400 = tpu.memref_slice %arg4[%add3A_393, %dma_start3A_399] : memref<425984x32xf32, #tpu.memory_space<hbm>> -> memref<1024x32xf32, #tpu.memory_space<hbm>>
    %dma_start3A_401 = arith.constant 0 : i32
    %dma_start3A_402 = tpu.memref_slice %arg4[%add3A_393, %dma_start3A_401] : memref<425984x32xf32, #tpu.memory_space<hbm>> -> memref<1024x32xf32, #tpu.memory_space<hbm>>
    %dma_start3A_403 = arith.constant 0 : i32
    %dma_start3A_404 = arith.constant 0 : i32
    %dma_start3A_405 = tpu.memref_slice %arg6[%dma_start3A_394, %dma_start3A_403, %dma_start3A_404] : memref<2x1024x32xf32, #tpu.memory_space<vmem>> -> memref<1x1024x32xf32, #tpu.memory_space<vmem>>
    %dma_start3A_406 = tpu.memref_squeeze %dma_start3A_405 : memref<1x1024x32xf32, #tpu.memory_space<vmem>> -> memref<1024x32xf32, #tpu.memory_space<vmem>>
    tpu.enqueue_dma source(%dma_start3A_406 : memref<1024x32xf32, #tpu.memory_space<vmem>>) target(%dma_start3A_402 : memref<1024x32xf32, #tpu.memory_space<hbm>>) target_semaphore(%arg8 : memref<!tpu.dma_semaphore, #tpu.memory_space<semaphore_mem>>)
    %dma_wait3A_407 = arith.constant 1 : i32
    %dma_wait3A_408 = arith.constant 0 : i32
    %dma_wait3A_409 = arith.constant 0 : i32
    %dma_wait3A_410 = tpu.memref_slice %arg6[%dma_wait3A_407, %dma_wait3A_408, %dma_wait3A_409] : memref<2x1024x32xf32, #tpu.memory_space<vmem>> -> memref<1x1024x32xf32, #tpu.memory_space<vmem>>
    %dma_wait3A_411 = tpu.memref_squeeze %dma_wait3A_410 : memref<1x1024x32xf32, #tpu.memory_space<vmem>> -> memref<1024x32xf32, #tpu.memory_space<vmem>>
    %dma_wait3A_412 = arith.constant 0 : i32
    %dma_wait3A_413 = tpu.memref_slice %arg4[%add3A_345, %dma_wait3A_412] : memref<425984x32xf32, #tpu.memory_space<hbm>> -> memref<1024x32xf32, #tpu.memory_space<hbm>>
    %dma_wait3A_414 = arith.constant 0 : i32
    %dma_wait3A_415 = tpu.memref_slice %arg4[%add3A_345, %dma_wait3A_414] : memref<425984x32xf32, #tpu.memory_space<hbm>> -> memref<1024x32xf32, #tpu.memory_space<hbm>>
    %dma_wait3A_416 = arith.constant 0 : i32
    %dma_wait3A_417 = arith.constant 0 : i32
    %dma_wait3A_418 = tpu.memref_slice %arg6[%dma_wait3A_407, %dma_wait3A_416, %dma_wait3A_417] : memref<2x1024x32xf32, #tpu.memory_space<vmem>> -> memref<1x1024x32xf32, #tpu.memory_space<vmem>>
    %dma_wait3A_419 = tpu.memref_squeeze %dma_wait3A_418 : memref<1x1024x32xf32, #tpu.memory_space<vmem>> -> memref<1024x32xf32, #tpu.memory_space<vmem>>
    tpu.wait_dma2 semaphore(%arg8 : memref<!tpu.dma_semaphore, #tpu.memory_space<semaphore_mem>>) src(%dma_wait3A_419 : memref<1024x32xf32, #tpu.memory_space<vmem>>) dst(%dma_wait3A_415 : memref<1024x32xf32, #tpu.memory_space<hbm>>)
    %dma_start3A_420 = arith.constant 1 : i32
    %dma_start3A_421 = arith.constant 0 : i32
    %dma_start3A_422 = arith.constant 0 : i32
    %dma_start3A_423 = tpu.memref_slice %arg6[%dma_start3A_420, %dma_start3A_421, %dma_start3A_422] : memref<2x1024x32xf32, #tpu.memory_space<vmem>> -> memref<1x1024x32xf32, #tpu.memory_space<vmem>>
    %dma_start3A_424 = tpu.memref_squeeze %dma_start3A_423 : memref<1x1024x32xf32, #tpu.memory_space<vmem>> -> memref<1024x32xf32, #tpu.memory_space<vmem>>
    %dma_start3A_425 = arith.constant 9216 : i32
    %dma_start3A_426 = tpu.memref_slice %arg5[%dma_start3A_425] : memref<13312xi32, #tpu.memory_space<vmem>> -> memref<1024xi32, #tpu.memory_space<vmem>>
    %dma_start3A_427 = arith.constant 0 : i32
    %dma_start3A_428 = arith.constant 0 : i32
    %dma_start3A_429 = tpu.memref_slice %arg3[%dma_start3A_427, %dma_start3A_428] : memref<1000000x32xf32, #tpu.memory_space<hbm>> -> memref<1000000x32xf32, #tpu.memory_space<hbm>>
    tpu.enqueue_indirect_dma source(%dma_start3A_429 : memref<1000000x32xf32, #tpu.memory_space<hbm>>) target(%dma_start3A_424 : memref<1024x32xf32, #tpu.memory_space<vmem>>) offsets(%dma_start3A_426 : memref<1024xi32, #tpu.memory_space<vmem>>) semaphore(%arg7 : memref<!tpu.dma_semaphore, #tpu.memory_space<semaphore_mem>>)
    %dma_wait3A_430 = arith.constant 1 : i32
    %dma_wait3A_431 = arith.constant 0 : i32
    %dma_wait3A_432 = arith.constant 0 : i32
    %dma_wait3A_433 = tpu.memref_slice %arg6[%dma_wait3A_430, %dma_wait3A_431, %dma_wait3A_432] : memref<2x1024x32xf32, #tpu.memory_space<vmem>> -> memref<1x1024x32xf32, #tpu.memory_space<vmem>>
    %dma_wait3A_434 = tpu.memref_squeeze %dma_wait3A_433 : memref<1x1024x32xf32, #tpu.memory_space<vmem>> -> memref<1024x32xf32, #tpu.memory_space<vmem>>
    %dma_wait3A_435 = arith.constant 9216 : i32
    %dma_wait3A_436 = tpu.memref_slice %arg5[%dma_wait3A_435] : memref<13312xi32, #tpu.memory_space<vmem>> -> memref<1024xi32, #tpu.memory_space<vmem>>
    %dma_wait3A_437 = arith.constant 0 : i32
    %dma_wait3A_438 = arith.constant 0 : i32
    %dma_wait3A_439 = tpu.memref_slice %arg3[%dma_wait3A_437, %dma_wait3A_438] : memref<1000000x32xf32, #tpu.memory_space<hbm>> -> memref<1000000x32xf32, #tpu.memory_space<hbm>>
    tpu.wait_indirect_dma semaphore(%arg7 : memref<!tpu.dma_semaphore, #tpu.memory_space<semaphore_mem>>) src(%dma_wait3A_439 : memref<1000000x32xf32, #tpu.memory_space<hbm>>) dst(%dma_wait3A_434 : memref<1024x32xf32, #tpu.memory_space<vmem>>)
    %add3A_440 = arith.constant 9216 : i32
    %add3A_441 = arith.addi %mul3A_2, %add3A_440 : i32
    %dma_start3A_442 = arith.constant 1 : i32
    %dma_start3A_443 = arith.constant 0 : i32
    %dma_start3A_444 = arith.constant 0 : i32
    %dma_start3A_445 = tpu.memref_slice %arg6[%dma_start3A_442, %dma_start3A_443, %dma_start3A_444] : memref<2x1024x32xf32, #tpu.memory_space<vmem>> -> memref<1x1024x32xf32, #tpu.memory_space<vmem>>
    %dma_start3A_446 = tpu.memref_squeeze %dma_start3A_445 : memref<1x1024x32xf32, #tpu.memory_space<vmem>> -> memref<1024x32xf32, #tpu.memory_space<vmem>>
    %dma_start3A_447 = arith.constant 0 : i32
    %dma_start3A_448 = tpu.memref_slice %arg4[%add3A_441, %dma_start3A_447] : memref<425984x32xf32, #tpu.memory_space<hbm>> -> memref<1024x32xf32, #tpu.memory_space<hbm>>
    %dma_start3A_449 = arith.constant 0 : i32
    %dma_start3A_450 = tpu.memref_slice %arg4[%add3A_441, %dma_start3A_449] : memref<425984x32xf32, #tpu.memory_space<hbm>> -> memref<1024x32xf32, #tpu.memory_space<hbm>>
    %dma_start3A_451 = arith.constant 0 : i32
    %dma_start3A_452 = arith.constant 0 : i32
    %dma_start3A_453 = tpu.memref_slice %arg6[%dma_start3A_442, %dma_start3A_451, %dma_start3A_452] : memref<2x1024x32xf32, #tpu.memory_space<vmem>> -> memref<1x1024x32xf32, #tpu.memory_space<vmem>>
    %dma_start3A_454 = tpu.memref_squeeze %dma_start3A_453 : memref<1x1024x32xf32, #tpu.memory_space<vmem>> -> memref<1024x32xf32, #tpu.memory_space<vmem>>
    tpu.enqueue_dma source(%dma_start3A_454 : memref<1024x32xf32, #tpu.memory_space<vmem>>) target(%dma_start3A_450 : memref<1024x32xf32, #tpu.memory_space<hbm>>) target_semaphore(%arg8 : memref<!tpu.dma_semaphore, #tpu.memory_space<semaphore_mem>>)
    %dma_wait3A_455 = arith.constant 0 : i32
    %dma_wait3A_456 = arith.constant 0 : i32
    %dma_wait3A_457 = arith.constant 0 : i32
    %dma_wait3A_458 = tpu.memref_slice %arg6[%dma_wait3A_455, %dma_wait3A_456, %dma_wait3A_457] : memref<2x1024x32xf32, #tpu.memory_space<vmem>> -> memref<1x1024x32xf32, #tpu.memory_space<vmem>>
    %dma_wait3A_459 = tpu.memref_squeeze %dma_wait3A_458 : memref<1x1024x32xf32, #tpu.memory_space<vmem>> -> memref<1024x32xf32, #tpu.memory_space<vmem>>
    %dma_wait3A_460 = arith.constant 0 : i32
    %dma_wait3A_461 = tpu.memref_slice %arg4[%add3A_393, %dma_wait3A_460] : memref<425984x32xf32, #tpu.memory_space<hbm>> -> memref<1024x32xf32, #tpu.memory_space<hbm>>
    %dma_wait3A_462 = arith.constant 0 : i32
    %dma_wait3A_463 = tpu.memref_slice %arg4[%add3A_393, %dma_wait3A_462] : memref<425984x32xf32, #tpu.memory_space<hbm>> -> memref<1024x32xf32, #tpu.memory_space<hbm>>
    %dma_wait3A_464 = arith.constant 0 : i32
    %dma_wait3A_465 = arith.constant 0 : i32
    %dma_wait3A_466 = tpu.memref_slice %arg6[%dma_wait3A_455, %dma_wait3A_464, %dma_wait3A_465] : memref<2x1024x32xf32, #tpu.memory_space<vmem>> -> memref<1x1024x32xf32, #tpu.memory_space<vmem>>
    %dma_wait3A_467 = tpu.memref_squeeze %dma_wait3A_466 : memref<1x1024x32xf32, #tpu.memory_space<vmem>> -> memref<1024x32xf32, #tpu.memory_space<vmem>>
    tpu.wait_dma2 semaphore(%arg8 : memref<!tpu.dma_semaphore, #tpu.memory_space<semaphore_mem>>) src(%dma_wait3A_467 : memref<1024x32xf32, #tpu.memory_space<vmem>>) dst(%dma_wait3A_463 : memref<1024x32xf32, #tpu.memory_space<hbm>>)
    %dma_start3A_468 = arith.constant 0 : i32
    %dma_start3A_469 = arith.constant 0 : i32
    %dma_start3A_470 = arith.constant 0 : i32
    %dma_start3A_471 = tpu.memref_slice %arg6[%dma_start3A_468, %dma_start3A_469, %dma_start3A_470] : memref<2x1024x32xf32, #tpu.memory_space<vmem>> -> memref<1x1024x32xf32, #tpu.memory_space<vmem>>
    %dma_start3A_472 = tpu.memref_squeeze %dma_start3A_471 : memref<1x1024x32xf32, #tpu.memory_space<vmem>> -> memref<1024x32xf32, #tpu.memory_space<vmem>>
    %dma_start3A_473 = arith.constant 10240 : i32
    %dma_start3A_474 = tpu.memref_slice %arg5[%dma_start3A_473] : memref<13312xi32, #tpu.memory_space<vmem>> -> memref<1024xi32, #tpu.memory_space<vmem>>
    %dma_start3A_475 = arith.constant 0 : i32
    %dma_start3A_476 = arith.constant 0 : i32
    %dma_start3A_477 = tpu.memref_slice %arg3[%dma_start3A_475, %dma_start3A_476] : memref<1000000x32xf32, #tpu.memory_space<hbm>> -> memref<1000000x32xf32, #tpu.memory_space<hbm>>
    tpu.enqueue_indirect_dma source(%dma_start3A_477 : memref<1000000x32xf32, #tpu.memory_space<hbm>>) target(%dma_start3A_472 : memref<1024x32xf32, #tpu.memory_space<vmem>>) offsets(%dma_start3A_474 : memref<1024xi32, #tpu.memory_space<vmem>>) semaphore(%arg7 : memref<!tpu.dma_semaphore, #tpu.memory_space<semaphore_mem>>)
    %dma_wait3A_478 = arith.constant 0 : i32
    %dma_wait3A_479 = arith.constant 0 : i32
    %dma_wait3A_480 = arith.constant 0 : i32
    %dma_wait3A_481 = tpu.memref_slice %arg6[%dma_wait3A_478, %dma_wait3A_479, %dma_wait3A_480] : memref<2x1024x32xf32, #tpu.memory_space<vmem>> -> memref<1x1024x32xf32, #tpu.memory_space<vmem>>
    %dma_wait3A_482 = tpu.memref_squeeze %dma_wait3A_481 : memref<1x1024x32xf32, #tpu.memory_space<vmem>> -> memref<1024x32xf32, #tpu.memory_space<vmem>>
    %dma_wait3A_483 = arith.constant 10240 : i32
    %dma_wait3A_484 = tpu.memref_slice %arg5[%dma_wait3A_483] : memref<13312xi32, #tpu.memory_space<vmem>> -> memref<1024xi32, #tpu.memory_space<vmem>>
    %dma_wait3A_485 = arith.constant 0 : i32
    %dma_wait3A_486 = arith.constant 0 : i32
    %dma_wait3A_487 = tpu.memref_slice %arg3[%dma_wait3A_485, %dma_wait3A_486] : memref<1000000x32xf32, #tpu.memory_space<hbm>> -> memref<1000000x32xf32, #tpu.memory_space<hbm>>
    tpu.wait_indirect_dma semaphore(%arg7 : memref<!tpu.dma_semaphore, #tpu.memory_space<semaphore_mem>>) src(%dma_wait3A_487 : memref<1000000x32xf32, #tpu.memory_space<hbm>>) dst(%dma_wait3A_482 : memref<1024x32xf32, #tpu.memory_space<vmem>>)
    %add3A_488 = arith.constant 10240 : i32
    %add3A_489 = arith.addi %mul3A_2, %add3A_488 : i32
    %dma_start3A_490 = arith.constant 0 : i32
    %dma_start3A_491 = arith.constant 0 : i32
    %dma_start3A_492 = arith.constant 0 : i32
    %dma_start3A_493 = tpu.memref_slice %arg6[%dma_start3A_490, %dma_start3A_491, %dma_start3A_492] : memref<2x1024x32xf32, #tpu.memory_space<vmem>> -> memref<1x1024x32xf32, #tpu.memory_space<vmem>>
    %dma_start3A_494 = tpu.memref_squeeze %dma_start3A_493 : memref<1x1024x32xf32, #tpu.memory_space<vmem>> -> memref<1024x32xf32, #tpu.memory_space<vmem>>
    %dma_start3A_495 = arith.constant 0 : i32
    %dma_start3A_496 = tpu.memref_slice %arg4[%add3A_489, %dma_start3A_495] : memref<425984x32xf32, #tpu.memory_space<hbm>> -> memref<1024x32xf32, #tpu.memory_space<hbm>>
    %dma_start3A_497 = arith.constant 0 : i32
    %dma_start3A_498 = tpu.memref_slice %arg4[%add3A_489, %dma_start3A_497] : memref<425984x32xf32, #tpu.memory_space<hbm>> -> memref<1024x32xf32, #tpu.memory_space<hbm>>
    %dma_start3A_499 = arith.constant 0 : i32
    %dma_start3A_500 = arith.constant 0 : i32
    %dma_start3A_501 = tpu.memref_slice %arg6[%dma_start3A_490, %dma_start3A_499, %dma_start3A_500] : memref<2x1024x32xf32, #tpu.memory_space<vmem>> -> memref<1x1024x32xf32, #tpu.memory_space<vmem>>
    %dma_start3A_502 = tpu.memref_squeeze %dma_start3A_501 : memref<1x1024x32xf32, #tpu.memory_space<vmem>> -> memref<1024x32xf32, #tpu.memory_space<vmem>>
    tpu.enqueue_dma source(%dma_start3A_502 : memref<1024x32xf32, #tpu.memory_space<vmem>>) target(%dma_start3A_498 : memref<1024x32xf32, #tpu.memory_space<hbm>>) target_semaphore(%arg8 : memref<!tpu.dma_semaphore, #tpu.memory_space<semaphore_mem>>)
    %dma_wait3A_503 = arith.constant 1 : i32
    %dma_wait3A_504 = arith.constant 0 : i32
    %dma_wait3A_505 = arith.constant 0 : i32
    %dma_wait3A_506 = tpu.memref_slice %arg6[%dma_wait3A_503, %dma_wait3A_504, %dma_wait3A_505] : memref<2x1024x32xf32, #tpu.memory_space<vmem>> -> memref<1x1024x32xf32, #tpu.memory_space<vmem>>
    %dma_wait3A_507 = tpu.memref_squeeze %dma_wait3A_506 : memref<1x1024x32xf32, #tpu.memory_space<vmem>> -> memref<1024x32xf32, #tpu.memory_space<vmem>>
    %dma_wait3A_508 = arith.constant 0 : i32
    %dma_wait3A_509 = tpu.memref_slice %arg4[%add3A_441, %dma_wait3A_508] : memref<425984x32xf32, #tpu.memory_space<hbm>> -> memref<1024x32xf32, #tpu.memory_space<hbm>>
    %dma_wait3A_510 = arith.constant 0 : i32
    %dma_wait3A_511 = tpu.memref_slice %arg4[%add3A_441, %dma_wait3A_510] : memref<425984x32xf32, #tpu.memory_space<hbm>> -> memref<1024x32xf32, #tpu.memory_space<hbm>>
    %dma_wait3A_512 = arith.constant 0 : i32
    %dma_wait3A_513 = arith.constant 0 : i32
    %dma_wait3A_514 = tpu.memref_slice %arg6[%dma_wait3A_503, %dma_wait3A_512, %dma_wait3A_513] : memref<2x1024x32xf32, #tpu.memory_space<vmem>> -> memref<1x1024x32xf32, #tpu.memory_space<vmem>>
    %dma_wait3A_515 = tpu.memref_squeeze %dma_wait3A_514 : memref<1x1024x32xf32, #tpu.memory_space<vmem>> -> memref<1024x32xf32, #tpu.memory_space<vmem>>
    tpu.wait_dma2 semaphore(%arg8 : memref<!tpu.dma_semaphore, #tpu.memory_space<semaphore_mem>>) src(%dma_wait3A_515 : memref<1024x32xf32, #tpu.memory_space<vmem>>) dst(%dma_wait3A_511 : memref<1024x32xf32, #tpu.memory_space<hbm>>)
    %dma_start3A_516 = arith.constant 1 : i32
    %dma_start3A_517 = arith.constant 0 : i32
    %dma_start3A_518 = arith.constant 0 : i32
    %dma_start3A_519 = tpu.memref_slice %arg6[%dma_start3A_516, %dma_start3A_517, %dma_start3A_518] : memref<2x1024x32xf32, #tpu.memory_space<vmem>> -> memref<1x1024x32xf32, #tpu.memory_space<vmem>>
    %dma_start3A_520 = tpu.memref_squeeze %dma_start3A_519 : memref<1x1024x32xf32, #tpu.memory_space<vmem>> -> memref<1024x32xf32, #tpu.memory_space<vmem>>
    %dma_start3A_521 = arith.constant 11264 : i32
    %dma_start3A_522 = tpu.memref_slice %arg5[%dma_start3A_521] : memref<13312xi32, #tpu.memory_space<vmem>> -> memref<1024xi32, #tpu.memory_space<vmem>>
    %dma_start3A_523 = arith.constant 0 : i32
    %dma_start3A_524 = arith.constant 0 : i32
    %dma_start3A_525 = tpu.memref_slice %arg3[%dma_start3A_523, %dma_start3A_524] : memref<1000000x32xf32, #tpu.memory_space<hbm>> -> memref<1000000x32xf32, #tpu.memory_space<hbm>>
    tpu.enqueue_indirect_dma source(%dma_start3A_525 : memref<1000000x32xf32, #tpu.memory_space<hbm>>) target(%dma_start3A_520 : memref<1024x32xf32, #tpu.memory_space<vmem>>) offsets(%dma_start3A_522 : memref<1024xi32, #tpu.memory_space<vmem>>) semaphore(%arg7 : memref<!tpu.dma_semaphore, #tpu.memory_space<semaphore_mem>>)
    %dma_wait3A_526 = arith.constant 1 : i32
    %dma_wait3A_527 = arith.constant 0 : i32
    %dma_wait3A_528 = arith.constant 0 : i32
    %dma_wait3A_529 = tpu.memref_slice %arg6[%dma_wait3A_526, %dma_wait3A_527, %dma_wait3A_528] : memref<2x1024x32xf32, #tpu.memory_space<vmem>> -> memref<1x1024x32xf32, #tpu.memory_space<vmem>>
    %dma_wait3A_530 = tpu.memref_squeeze %dma_wait3A_529 : memref<1x1024x32xf32, #tpu.memory_space<vmem>> -> memref<1024x32xf32, #tpu.memory_space<vmem>>
    %dma_wait3A_531 = arith.constant 11264 : i32
    %dma_wait3A_532 = tpu.memref_slice %arg5[%dma_wait3A_531] : memref<13312xi32, #tpu.memory_space<vmem>> -> memref<1024xi32, #tpu.memory_space<vmem>>
    %dma_wait3A_533 = arith.constant 0 : i32
    %dma_wait3A_534 = arith.constant 0 : i32
    %dma_wait3A_535 = tpu.memref_slice %arg3[%dma_wait3A_533, %dma_wait3A_534] : memref<1000000x32xf32, #tpu.memory_space<hbm>> -> memref<1000000x32xf32, #tpu.memory_space<hbm>>
    tpu.wait_indirect_dma semaphore(%arg7 : memref<!tpu.dma_semaphore, #tpu.memory_space<semaphore_mem>>) src(%dma_wait3A_535 : memref<1000000x32xf32, #tpu.memory_space<hbm>>) dst(%dma_wait3A_530 : memref<1024x32xf32, #tpu.memory_space<vmem>>)
    %add3A_536 = arith.constant 11264 : i32
    %add3A_537 = arith.addi %mul3A_2, %add3A_536 : i32
    %dma_start3A_538 = arith.constant 1 : i32
    %dma_start3A_539 = arith.constant 0 : i32
    %dma_start3A_540 = arith.constant 0 : i32
    %dma_start3A_541 = tpu.memref_slice %arg6[%dma_start3A_538, %dma_start3A_539, %dma_start3A_540] : memref<2x1024x32xf32, #tpu.memory_space<vmem>> -> memref<1x1024x32xf32, #tpu.memory_space<vmem>>
    %dma_start3A_542 = tpu.memref_squeeze %dma_start3A_541 : memref<1x1024x32xf32, #tpu.memory_space<vmem>> -> memref<1024x32xf32, #tpu.memory_space<vmem>>
    %dma_start3A_543 = arith.constant 0 : i32
    %dma_start3A_544 = tpu.memref_slice %arg4[%add3A_537, %dma_start3A_543] : memref<425984x32xf32, #tpu.memory_space<hbm>> -> memref<1024x32xf32, #tpu.memory_space<hbm>>
    %dma_start3A_545 = arith.constant 0 : i32
    %dma_start3A_546 = tpu.memref_slice %arg4[%add3A_537, %dma_start3A_545] : memref<425984x32xf32, #tpu.memory_space<hbm>> -> memref<1024x32xf32, #tpu.memory_space<hbm>>
    %dma_start3A_547 = arith.constant 0 : i32
    %dma_start3A_548 = arith.constant 0 : i32
    %dma_start3A_549 = tpu.memref_slice %arg6[%dma_start3A_538, %dma_start3A_547, %dma_start3A_548] : memref<2x1024x32xf32, #tpu.memory_space<vmem>> -> memref<1x1024x32xf32, #tpu.memory_space<vmem>>
    %dma_start3A_550 = tpu.memref_squeeze %dma_start3A_549 : memref<1x1024x32xf32, #tpu.memory_space<vmem>> -> memref<1024x32xf32, #tpu.memory_space<vmem>>
    tpu.enqueue_dma source(%dma_start3A_550 : memref<1024x32xf32, #tpu.memory_space<vmem>>) target(%dma_start3A_546 : memref<1024x32xf32, #tpu.memory_space<hbm>>) target_semaphore(%arg8 : memref<!tpu.dma_semaphore, #tpu.memory_space<semaphore_mem>>)
    %dma_wait3A_551 = arith.constant 0 : i32
    %dma_wait3A_552 = arith.constant 0 : i32
    %dma_wait3A_553 = arith.constant 0 : i32
    %dma_wait3A_554 = tpu.memref_slice %arg6[%dma_wait3A_551, %dma_wait3A_552, %dma_wait3A_553] : memref<2x1024x32xf32, #tpu.memory_space<vmem>> -> memref<1x1024x32xf32, #tpu.memory_space<vmem>>
    %dma_wait3A_555 = tpu.memref_squeeze %dma_wait3A_554 : memref<1x1024x32xf32, #tpu.memory_space<vmem>> -> memref<1024x32xf32, #tpu.memory_space<vmem>>
    %dma_wait3A_556 = arith.constant 0 : i32
    %dma_wait3A_557 = tpu.memref_slice %arg4[%add3A_489, %dma_wait3A_556] : memref<425984x32xf32, #tpu.memory_space<hbm>> -> memref<1024x32xf32, #tpu.memory_space<hbm>>
    %dma_wait3A_558 = arith.constant 0 : i32
    %dma_wait3A_559 = tpu.memref_slice %arg4[%add3A_489, %dma_wait3A_558] : memref<425984x32xf32, #tpu.memory_space<hbm>> -> memref<1024x32xf32, #tpu.memory_space<hbm>>
    %dma_wait3A_560 = arith.constant 0 : i32
    %dma_wait3A_561 = arith.constant 0 : i32
    %dma_wait3A_562 = tpu.memref_slice %arg6[%dma_wait3A_551, %dma_wait3A_560, %dma_wait3A_561] : memref<2x1024x32xf32, #tpu.memory_space<vmem>> -> memref<1x1024x32xf32, #tpu.memory_space<vmem>>
    %dma_wait3A_563 = tpu.memref_squeeze %dma_wait3A_562 : memref<1x1024x32xf32, #tpu.memory_space<vmem>> -> memref<1024x32xf32, #tpu.memory_space<vmem>>
    tpu.wait_dma2 semaphore(%arg8 : memref<!tpu.dma_semaphore, #tpu.memory_space<semaphore_mem>>) src(%dma_wait3A_563 : memref<1024x32xf32, #tpu.memory_space<vmem>>) dst(%dma_wait3A_559 : memref<1024x32xf32, #tpu.memory_space<hbm>>)
    %dma_start3A_564 = arith.constant 0 : i32
    %dma_start3A_565 = arith.constant 0 : i32
    %dma_start3A_566 = arith.constant 0 : i32
    %dma_start3A_567 = tpu.memref_slice %arg6[%dma_start3A_564, %dma_start3A_565, %dma_start3A_566] : memref<2x1024x32xf32, #tpu.memory_space<vmem>> -> memref<1x1024x32xf32, #tpu.memory_space<vmem>>
    %dma_start3A_568 = tpu.memref_squeeze %dma_start3A_567 : memref<1x1024x32xf32, #tpu.memory_space<vmem>> -> memref<1024x32xf32, #tpu.memory_space<vmem>>
    %dma_start3A_569 = arith.constant 12288 : i32
    %dma_start3A_570 = tpu.memref_slice %arg5[%dma_start3A_569] : memref<13312xi32, #tpu.memory_space<vmem>> -> memref<1024xi32, #tpu.memory_space<vmem>>
    %dma_start3A_571 = arith.constant 0 : i32
    %dma_start3A_572 = arith.constant 0 : i32
    %dma_start3A_573 = tpu.memref_slice %arg3[%dma_start3A_571, %dma_start3A_572] : memref<1000000x32xf32, #tpu.memory_space<hbm>> -> memref<1000000x32xf32, #tpu.memory_space<hbm>>
    tpu.enqueue_indirect_dma source(%dma_start3A_573 : memref<1000000x32xf32, #tpu.memory_space<hbm>>) target(%dma_start3A_568 : memref<1024x32xf32, #tpu.memory_space<vmem>>) offsets(%dma_start3A_570 : memref<1024xi32, #tpu.memory_space<vmem>>) semaphore(%arg7 : memref<!tpu.dma_semaphore, #tpu.memory_space<semaphore_mem>>)
    %dma_wait3A_574 = arith.constant 0 : i32
    %dma_wait3A_575 = arith.constant 0 : i32
    %dma_wait3A_576 = arith.constant 0 : i32
    %dma_wait3A_577 = tpu.memref_slice %arg6[%dma_wait3A_574, %dma_wait3A_575, %dma_wait3A_576] : memref<2x1024x32xf32, #tpu.memory_space<vmem>> -> memref<1x1024x32xf32, #tpu.memory_space<vmem>>
    %dma_wait3A_578 = tpu.memref_squeeze %dma_wait3A_577 : memref<1x1024x32xf32, #tpu.memory_space<vmem>> -> memref<1024x32xf32, #tpu.memory_space<vmem>>
    %dma_wait3A_579 = arith.constant 12288 : i32
    %dma_wait3A_580 = tpu.memref_slice %arg5[%dma_wait3A_579] : memref<13312xi32, #tpu.memory_space<vmem>> -> memref<1024xi32, #tpu.memory_space<vmem>>
    %dma_wait3A_581 = arith.constant 0 : i32
    %dma_wait3A_582 = arith.constant 0 : i32
    %dma_wait3A_583 = tpu.memref_slice %arg3[%dma_wait3A_581, %dma_wait3A_582] : memref<1000000x32xf32, #tpu.memory_space<hbm>> -> memref<1000000x32xf32, #tpu.memory_space<hbm>>
    tpu.wait_indirect_dma semaphore(%arg7 : memref<!tpu.dma_semaphore, #tpu.memory_space<semaphore_mem>>) src(%dma_wait3A_583 : memref<1000000x32xf32, #tpu.memory_space<hbm>>) dst(%dma_wait3A_578 : memref<1024x32xf32, #tpu.memory_space<vmem>>)
    %add3A_584 = arith.constant 12288 : i32
    %add3A_585 = arith.addi %mul3A_2, %add3A_584 : i32
    %dma_start3A_586 = arith.constant 0 : i32
    %dma_start3A_587 = arith.constant 0 : i32
    %dma_start3A_588 = arith.constant 0 : i32
    %dma_start3A_589 = tpu.memref_slice %arg6[%dma_start3A_586, %dma_start3A_587, %dma_start3A_588] : memref<2x1024x32xf32, #tpu.memory_space<vmem>> -> memref<1x1024x32xf32, #tpu.memory_space<vmem>>
    %dma_start3A_590 = tpu.memref_squeeze %dma_start3A_589 : memref<1x1024x32xf32, #tpu.memory_space<vmem>> -> memref<1024x32xf32, #tpu.memory_space<vmem>>
    %dma_start3A_591 = arith.constant 0 : i32
    %dma_start3A_592 = tpu.memref_slice %arg4[%add3A_585, %dma_start3A_591] : memref<425984x32xf32, #tpu.memory_space<hbm>> -> memref<1024x32xf32, #tpu.memory_space<hbm>>
    %dma_start3A_593 = arith.constant 0 : i32
    %dma_start3A_594 = tpu.memref_slice %arg4[%add3A_585, %dma_start3A_593] : memref<425984x32xf32, #tpu.memory_space<hbm>> -> memref<1024x32xf32, #tpu.memory_space<hbm>>
    %dma_start3A_595 = arith.constant 0 : i32
    %dma_start3A_596 = arith.constant 0 : i32
    %dma_start3A_597 = tpu.memref_slice %arg6[%dma_start3A_586, %dma_start3A_595, %dma_start3A_596] : memref<2x1024x32xf32, #tpu.memory_space<vmem>> -> memref<1x1024x32xf32, #tpu.memory_space<vmem>>
    %dma_start3A_598 = tpu.memref_squeeze %dma_start3A_597 : memref<1x1024x32xf32, #tpu.memory_space<vmem>> -> memref<1024x32xf32, #tpu.memory_space<vmem>>
    tpu.enqueue_dma source(%dma_start3A_598 : memref<1024x32xf32, #tpu.memory_space<vmem>>) target(%dma_start3A_594 : memref<1024x32xf32, #tpu.memory_space<hbm>>) target_semaphore(%arg8 : memref<!tpu.dma_semaphore, #tpu.memory_space<semaphore_mem>>)
    %dma_wait3A_599 = arith.constant 0 : i32
    %dma_wait3A_600 = arith.constant 0 : i32
    %dma_wait3A_601 = arith.constant 0 : i32
    %dma_wait3A_602 = tpu.memref_slice %arg6[%dma_wait3A_599, %dma_wait3A_600, %dma_wait3A_601] : memref<2x1024x32xf32, #tpu.memory_space<vmem>> -> memref<1x1024x32xf32, #tpu.memory_space<vmem>>
    %dma_wait3A_603 = tpu.memref_squeeze %dma_wait3A_602 : memref<1x1024x32xf32, #tpu.memory_space<vmem>> -> memref<1024x32xf32, #tpu.memory_space<vmem>>
    %dma_wait3A_604 = arith.constant 0 : i32
    %dma_wait3A_605 = tpu.memref_slice %arg4[%add3A_585, %dma_wait3A_604] : memref<425984x32xf32, #tpu.memory_space<hbm>> -> memref<1024x32xf32, #tpu.memory_space<hbm>>
    %dma_wait3A_606 = arith.constant 0 : i32
    %dma_wait3A_607 = tpu.memref_slice %arg4[%add3A_585, %dma_wait3A_606] : memref<425984x32xf32, #tpu.memory_space<hbm>> -> memref<1024x32xf32, #tpu.memory_space<hbm>>
    %dma_wait3A_608 = arith.constant 0 : i32
    %dma_wait3A_609 = arith.constant 0 : i32
    %dma_wait3A_610 = tpu.memref_slice %arg6[%dma_wait3A_599, %dma_wait3A_608, %dma_wait3A_609] : memref<2x1024x32xf32, #tpu.memory_space<vmem>> -> memref<1x1024x32xf32, #tpu.memory_space<vmem>>
    %dma_wait3A_611 = tpu.memref_squeeze %dma_wait3A_610 : memref<1x1024x32xf32, #tpu.memory_space<vmem>> -> memref<1024x32xf32, #tpu.memory_space<vmem>>
    tpu.wait_dma2 semaphore(%arg8 : memref<!tpu.dma_semaphore, #tpu.memory_space<semaphore_mem>>) src(%dma_wait3A_611 : memref<1024x32xf32, #tpu.memory_space<vmem>>) dst(%dma_wait3A_607 : memref<1024x32xf32, #tpu.memory_space<hbm>>)
    %dma_wait3A_612 = arith.constant 1 : i32
    %dma_wait3A_613 = arith.constant 0 : i32
    %dma_wait3A_614 = arith.constant 0 : i32
    %dma_wait3A_615 = tpu.memref_slice %arg6[%dma_wait3A_612, %dma_wait3A_613, %dma_wait3A_614] : memref<2x1024x32xf32, #tpu.memory_space<vmem>> -> memref<1x1024x32xf32, #tpu.memory_space<vmem>>
    %dma_wait3A_616 = tpu.memref_squeeze %dma_wait3A_615 : memref<1x1024x32xf32, #tpu.memory_space<vmem>> -> memref<1024x32xf32, #tpu.memory_space<vmem>>
    %dma_wait3A_617 = arith.constant 0 : i32
    %dma_wait3A_618 = tpu.memref_slice %arg4[%add3A_537, %dma_wait3A_617] : memref<425984x32xf32, #tpu.memory_space<hbm>> -> memref<1024x32xf32, #tpu.memory_space<hbm>>
    %dma_wait3A_619 = arith.constant 0 : i32
    %dma_wait3A_620 = tpu.memref_slice %arg4[%add3A_537, %dma_wait3A_619] : memref<425984x32xf32, #tpu.memory_space<hbm>> -> memref<1024x32xf32, #tpu.memory_space<hbm>>
    %dma_wait3A_621 = arith.constant 0 : i32
    %dma_wait3A_622 = arith.constant 0 : i32
    %dma_wait3A_623 = tpu.memref_slice %arg6[%dma_wait3A_612, %dma_wait3A_621, %dma_wait3A_622] : memref<2x1024x32xf32, #tpu.memory_space<vmem>> -> memref<1x1024x32xf32, #tpu.memory_space<vmem>>
    %dma_wait3A_624 = tpu.memref_squeeze %dma_wait3A_623 : memref<1x1024x32xf32, #tpu.memory_space<vmem>> -> memref<1024x32xf32, #tpu.memory_space<vmem>>
    tpu.wait_dma2 semaphore(%arg8 : memref<!tpu.dma_semaphore, #tpu.memory_space<semaphore_mem>>) src(%dma_wait3A_624 : memref<1024x32xf32, #tpu.memory_space<vmem>>) dst(%dma_wait3A_620 : memref<1024x32xf32, #tpu.memory_space<hbm>>)
    return
  }
}

</mosaic_0001>

<sc_bundles>
// kernel: kernel.3.cloned.1.call-start
scs
__scs_entry_jumppad:
0x0: {  	(pc) =	sbr.rel $0x88, $3  }
0x1: {  	(tag) =	ssettag $0x0;
	lr =	simm.s32 $0x1  }
0x2: {  	[smem:$0x3F9F] =	sst lr;
	_ =	strace $0xD0000000  }
0x3: {  	_ = 	snop  }
0x4: {  	_ = 	snop  }
0x5: {  	_ = 	snop  }
0x6: {  	_ = 	snop  }
0x7: {  	_ = 	snop  }
__scs_overlays_trampoline_lowered:
0x8: {  	[smem:$0x3FAE] =	sst s0  }
0x9: {  	[smem:$0x3FAF] =	sst s1  }
0xa: {  	[smem:$0x3FB0] =	sst s2  }
0xb: {  	[smem:$0x3FB1] =	sst s3  }
0xc: {  	[smem:$0x3FB2] =	sst s4  }
0xd: {  	[smem:$0x3FB3] =	sst s5  }
0xe: {  	[smem:$0x3FB4] =	sst s6  }
0xf: {  	[smem:$0x3FB5] =	sst s7  }
0x10: {  	[smem:$0x3FB6] =	sst s8  }
0x11: {  	[smem:$0x3FB7] =	sst s9;
	s0 =	simm.s32 @!p0 $0x0  }
0x12: {  	s1 =	sld [smem:$0x3F9D];
	s0 =	simm.s32 @p0 $0x1  }
0x13: {  	[smem:$0x3FB8] =	sst s0;
	s0 =	simm.s32 @!p1 $0x0  }
0x14: {  	s2 =	sld [smem:$0x3F9C];
	s0 =	simm.s32 @p1 $0x1  }
0x15: {  	[smem:$0x3FB9] =	sst s0;
	s0 =	simm.s32 @!p2 $0x0  }
0x16: {  	s3 =	sld [smem:$0x3FDB];
	s0 =	simm.s32 @p2 $0x1  }
0x17: {  	s4 =	simm.s32 $0x1BF5;
	[smem:$0x3FBB] =	sst s0  }
0x18: {  	s0 =	sld [smem:$0x3F9E];
	_ =	swait.ge [sflag:s4], $0x0  }
0x19: {  	s7 =	sld [smem:$0x3F9F]  }
0x1a: {  	s8 =	sadd.s32 $0xFFFFE003, lr  }
0x1b: {  	s9 =	sadd.s32 $0xFFFFFEF7, lr;
	s5 =	simm.s32 $0xFFFFFFFF;
	p2 =	slt.u32 s8, $0xFFFFF086  }
0x1c: {  	p1 =	slt.u32 s9, $0xF7A;
	s5 =	simm.s32 @!p2 $0x0  }
0x1d: {  	s5 =	simm.s32 @p1 $0x1;
	p0 =	seq.s32 s7, s2  }
0x1e: {  	s7 =	smul.u32 @!p0 $0xF7A, s2;
	p2 =	seq.s32 @!p0 s5, $0x0  }
0x1f: {  	s9 =	smul.u32 $0xF7A, s1;
	s8 =	simm.s32 @!p0 $0x1BF5;
	p2 =	por !p2, p0  }
0x20: {  	[sflag:s8] =	ssyncset.s32 @!p0 $0xFFFFF086;
	s6 =	sadd.s32 @!p0 s3, s7;
	s7 =	simm.s32 @!p0 $0x108  }
0x21: {  	s3 =	sadd.s32 s3, s9;
	s6 =	sadd.s32 @!p0 $0x88, s6;
	s7 =	simm.s32 @p2 $0x1082  }
0x22: {  	[simem:s7], [sflag:s8] =	dma.local @!p0 [hbm:s6], $0xF7A  }
0x23: {  	s9 =	sor.u32 $0xD0000000, s2;
	s6 =	simm.s32 $0x108;
	_ =	swait.ge @!p0 [sflag:s8], $0x0  }
0x24: {  	s3 =	sadd.s32 $0x88, s3;
	s6 =	simm.s32 @!p1 $0x1082;
	[sflag:s4] =	ssyncset.s32 $0xFFFFF086  }
0x25: {  	[simem:s6], [sflag:s4] =	dma.local [hbm:s3], $0xF7A  }
0x26: {  	[smem:$0x3F9F] =	sst s1;
	(tag) =	ssettag s2;
	_ =	strace s9  }
0x27: {  	s1 =	sld [smem:$0x3FAF]  }
0x28: {  	s2 =	sld [smem:$0x3FB0]  }
0x29: {  	s4 =	sld [smem:$0x3FB2]  }
0x2a: {  	p0 =	seq.s32 s5, $0x0;
	s5 =	sld [smem:$0x3FB3]  }
0x2b: {  	s6 =	sld [smem:$0x3FB4]  }
0x2c: {  	s7 =	sld [smem:$0x3FB5]  }
0x2d: {  	s3 =	simm.s32 $0x108;
	s8 =	sld [smem:$0x3FB6]  }
0x2e: {  	s3 =	simm.s32 @!p0 $0x1082;
	s9 =	sld [smem:$0x3FB7]  }
0x2f: {  	lr =	sadd.s32 s0, s3;
	s0 =	sld [smem:$0x3FAE]  }
0x30: {  	s3 =	sld [smem:$0x3FB1]  }
0x31: {  	[smem:$0x3FBA] =	sst s10  }
0x32: {  	s10 =	sld [smem:$0x3FB8];
	_ =	sdelay $0x3  }
0x33: {  	p0 =	seq.s32 s10, $0x1;
	s10 =	sld [smem:$0x3FBA];
	_ =	sdelay $0x3  }
0x34: {  	[smem:$0x3FBA] =	sst s10  }
0x35: {  	s10 =	sld [smem:$0x3FB9];
	_ =	sdelay $0x3  }
0x36: {  	p1 =	seq.s32 s10, $0x1;
	s10 =	sld [smem:$0x3FBA];
	_ =	sdelay $0x3  }
0x37: {  	[smem:$0x3FBA] =	sst s10  }
0x38: {  	s10 =	sld [smem:$0x3FBB]  }
0x39: {  	_ = 	snop;
	(pc) =	sbr.ind lr, $3  }
0x3a: {  	_ = 	snop  }
0x3b: {  	_ = 	snop  }
0x3c: {  	p2 =	seq.s32 s10, $0x1;
	s10 =	sld [smem:$0x3FBA]  }
0x3d: {  	_ =	shalt  }
0x3e: {  	_ =	shalt  }
0x3f: {  	_ =	shalt  }
0x40: {  	_ =	shalt  }
0x41: {  	_ =	shalt  }
0x42: {  	_ =	shalt  }
0x43: {  	_ =	shalt  }
0x44: {  	_ =	shalt  }
0x45: {  	_ =	shalt  }
0x46: {  	_ =	shalt  }
0x47: {  	_ =	shalt  }
0x48: {  	_ =	shalt  }
0x49: {  	_ =	shalt  }
0x4a: {  	_ =	shalt  }
0x4b: {  	_ =	shalt  }
0x4c: {  	_ =	shalt  }
0x4d: {  	_ =	shalt  }
0x4e: {  	_ =	shalt  }
0x4f: {  	_ =	shalt  }
0x50: {  	_ =	shalt  }
0x51: {  	_ =	shalt  }
0x52: {  	_ =	shalt  }
0x53: {  	_ =	shalt  }
0x54: {  	_ =	shalt  }
0x55: {  	_ =	shalt  }
0x56: {  	_ =	shalt  }
0x57: {  	_ =	shalt  }
0x58: {  	_ =	shalt  }
0x59: {  	_ =	shalt  }
0x5a: {  	_ =	shalt  }
0x5b: {  	_ =	shalt  }
0x5c: {  	_ =	shalt  }
0x5d: {  	_ =	shalt  }
0x5e: {  	_ =	shalt  }
0x5f: {  	_ =	shalt  }
0x60: {  	_ =	shalt  }
0x61: {  	_ =	shalt  }
0x62: {  	_ =	shalt  }
0x63: {  	_ =	shalt  }
0x64: {  	_ =	shalt  }
0x65: {  	_ =	shalt  }
0x66: {  	_ =	shalt  }
0x67: {  	_ =	shalt  }
0x68: {  	_ =	shalt  }
0x69: {  	_ =	shalt  }
0x6a: {  	_ =	shalt  }
0x6b: {  	_ =	shalt  }
0x6c: {  	_ =	shalt  }
0x6d: {  	_ =	shalt  }
0x6e: {  	_ =	shalt  }
0x6f: {  	_ =	shalt  }
0x70: {  	_ =	shalt  }
0x71: {  	_ =	shalt  }
0x72: {  	_ =	shalt  }
0x73: {  	_ =	shalt  }
0x74: {  	_ =	shalt  }
0x75: {  	_ =	shalt  }
0x76: {  	_ =	shalt  }
0x77: {  	_ =	shalt  }
0x78: {  	_ =	shalt  }
0x79: {  	_ =	shalt  }
0x7a: {  	_ =	shalt  }
0x7b: {  	_ =	shalt  }
0x7c: {  	_ =	shalt  }
0x7d: {  	_ =	shalt  }
0x7e: {  	_ =	shalt  }
0x7f: {  	_ =	shalt  }
0x80: {  	_ =	shalt  }
0x81: {  	_ =	shalt  }
0x82: {  	_ =	shalt  }
0x83: {  	_ =	shalt  }
0x84: {  	_ =	shalt  }
0x85: {  	_ =	shalt  }
0x86: {  	_ =	shalt  }
0x87: {  	_ =	shalt  }
.Lfunc_end0:
.L_simem_size_0:
called_computation.1_lowered:
.L_overlay_start_0:
0x88: {  	s2 =	sld [smem:$0x3FD9]  }
0x89: {  	s3 =	sld [smem:$0x3FFE];
	_ =	sdelay $0x1  }
0x8a: {  	s1 =	srdreg.scid  }
0x8b: {  	s0 =	sand.u32 $0x1, s1  }
0x8c: {  	s17 =	sshll.u32 s0, $0xA;
	s2 =	sadd.s32 s3, s2  }
0x8d: {  	s2 =	sadd.s32 s2, s17  }
0x8e: {  	[smem:$0x3FC6] =	sst s2  }
0x8f: {  	_ = 	snop  }
0x90: {  	s2 =	sld [smem:$0x3FD0];
	(tm) =	ssettm $0x1  }
0x91: {  	s18 =	sld [smem:$0x3FFB];
	_ =	sdelay $0x3  }
0x92: {  	_ =	strace s18  }
0x93: {  	s3 =	sld [smem:$0x3FFC];
	_ =	sdelay $0x3  }
0x94: {  	_ =	strace s3  }
0x95: {  	s3 =	sld [smem:$0x3FFD];
	_ =	sdelay $0x3  }
0x96: {  	_ =	strace s3  }
0x97: {  	_ =	strace $0x8FFFFFFF  }
0x98: {  	s19 =	sld [smem:$0x3FDB];
	_ =	sdelay $0x1  }
0x99: {  	s4 =	simm.s32 $_scs_section_size  }
0x9a: {  	s5 =	simm.s32 $_size__tile_overlayer_lowered;
	s6 =	simm.s32 $_tile_overlayer_lowered  }
0x9b: {  	s22 =	simm.s32 $0x1BFF;
	s21 =	sshll.u32 s6, $0x1;
	s3 =	sadd.s32 s4, s19  }
0x9c: {  	s7 =	simm.s32 $0x0;
	s20 =	sshll.u32 s5, $0x1;
	s5 =	sadd.s32 s21, s3  }
0x9d: {  	[timem:s7], [sflag:s22] =	dma.local [hbm:s5], s20  }
0x9e: {  	_ =	swait.ge [sflag:s22], s20  }
0x9f: {  	s4 =	ssub.s32 $0x0, s20;
	[sflag:s22] =	ssyncset.done $0x0  }
0xa0: {  	[sflag:s22] =	ssyncadd.s32 s4;
	_ =	sdelay $0x1  }
0xa1: {  	s23 =	simm.s32 $0x1B8B  }
0xa2: {  	_ =	swait.ge [sflag:s23], $0x1  }
0xa3: {  	[sflag:s23] =	ssyncset.done $0x0  }
0xa4: {  	s25 =	simm.s32 $0x1B8E;
	s24 =	sld [smem:$0x3FFE];
	[sflag:s23] =	ssyncadd.s32 $0xFFFFFFFF  }
0xa5: {  	s26 =	simm.s32 $execute0_lowered;
	[smem:$0x3FD2] =	sst s25  }
0xa6: {  	s5 =	sshll.u32 s26, $0x1;
	_ =	strace $0x80000046;
	[dreg:$0x1] =	wrdreg $0xFFFFFFFF  }
0xa7: {  	s28 =	simm.s32 $_size_execute0_lowered;
	s3 =	sadd.s32 s3, s5;
	[dreg:$0x0] =	wrdreg $0x0  }
0xa8: {  	s5 =	sshll.u32 s28, $0x1;
	[dreg:$0x2] =	wrdreg s3  }
0xa9: {  	[dreg:$0x3] =	wrdreg s5  }
0xaa: {  	[dreg:$0x4] =	wrdreg $0xC0  }
0xab: {  	_ =	task [dreg:s7], $0x5FFFF  }
0xac: {  	[dreg:$0x1] =	wrdreg $0xFFFFFFFF  }
0xad: {  	[dreg:$0x0] =	wrdreg $0x60  }
0xae: {  	[dreg:$0x2] =	wrdreg s24  }
0xaf: {  	[dreg:$0x3] =	wrdreg s2  }
0xb0: {  	[dreg:$0x4] =	wrdreg $0x9  }
0xb1: {  	_ =	task.clear_ibuf [dreg:s7], $0x5FFFF;
	_ =	strace $0x90000046  }
0xb2: {  	s29 =	simm.s32 $0x9;
	_ =	strace $0x80000048  }
0xb3: {  	_ =	swait.ge [sflag:s29], $0x1  }
0xb4: {  	[sflag:s29] =	ssyncadd.s32 $0xFFFFFFFF  }
0xb5: {  	_ =	strace $0x90000048  }
0xb6: {  	_ =	sfence  }
0xb7: {  	s30 =	sld [smem:$0x0];
	_ =	sdelay $0x2  }
0xb8: {  	s31 =	sshll.u32 s1, $0xD;
	s1 =	sshrl.u32 s1, $0x2  }
0xb9: {  	s3 =	sand.u32 $0x4000, s31;
	s1 =	sadd.s32 s1, s30  }
0xba: {  	s0 =	sor.u32 s3, s0;
	s1 =	sshll.u32 s1, $0x11  }
0xbb: {  	s0 =	sor.u32 s1, s0  }
0xbc: {  	s0 =	sadd.s32 $0x8F2B, s0  }
0xbd: {  	[sflag:s0] =	ssyncadd.remote.s32 $0x1  }
0xbe: {  	_ =	sfence.sel $0xFFFF  }
0xbf: {  	[dreg:$0x0] =	wrdreg $0xFFFFFFFF;
	(pc) =	sbr.abs _section_cstart, $3  }
0xc0: {  	[dreg:$0x1] =	wrdreg $0xFFFFFFFF  }
0xc1: {  	_ =	task.clear_ibuf [dreg:s7], $0x2FFFF;
	_ =	strace $0x9FFFFFFF  }
0xc2: {  	(tm) =	ssettm $0x7FFFFFFF  }
0xc3: {  	_ =	shalt  }
tec
execute0_lowered:
.L_overlay_start_1:
0x0: {  	(tag) =	ssettag $0x1  }
0x1: {  	s1 =	srdreg.scid;
	s0 =	stileid.u32  }
0x2: {  	s1 =	sand.u32 $0x1, s1;
	s2 =	sshll.u32 s0, $0x1  }
0x3: {  	s3 =	sor.u32 s1, s2  }
0x4: {  	s4 =	rddreg [dreg:$0x0];
	s6 =	smul.u32 $0x680, s3  }
0x5: {  	s5 =	rddreg [dreg:$0x1];
	s2 =	simm.s32 $0x0;
	s7 =	smul.u32 $0xD000, s3  }
0x6: {  	[smem:$0x7FF] =	sst s2;
	s3 =	smul.u32 $0x68000, s3  }
0x7: {  	_ =	strace $0x80000047;
	s6 =	sadd.s32 s6, s4;
	s24 =	sadd.s32 s5, s7  }
0x8: {  	s3 =	sshrl.u32 s3, $0x3;
	s6 =	sadd.s32 $0xA00, s6;
	[dreg:$0x4] =	wrdreg s24  }
0x9: {  	s31 =	sadd.s32 s5, s3;
	[dreg:$0x3] =	wrdreg s6  }
0xa: {  	s3 =	sadd.s32 $0x1000, s31;
	s25 =	rddreg [dreg:$0x3]  }
0xb: {  	s26 =	sadd.s32 $0x2000, s31;
	[dreg:$0x5] =	wrdreg s3  }
0xc: {  	[dreg:$0x6] =	wrdreg s26;
	s3 =	simm.s32 $0x3  }
0xd: {  	[tilespmem:s2], [sflag:$0x3] =	stream.linear.gather [hbm4b:s25+s2], $0x3400, $0x38;
	[tilespmem:$0x13400] =	vst v63  }
0xe: {  	_ =	swait.ge [sflag:s3], $0x3400  }
0xf: {  	s4 =	sadd.s32 $0xF42E00, s4;
	s7 =	simm.s32 $0x1;
	[sflag:s3] =	ssyncset.done $0x0  }
0x10: {  	s5 =	simm.s32 $0x400;
	s6 =	simm.s32 $0x3400;
	[sflag:s3] =	ssyncadd.s32 $0xFFFFCC00  }
0x11: {  	[tilespmem:s6], [sflag:$0x1] =	stream.indirect.gather [hbm4b:s4+s5], $0x20, s2, s5, $0xb8;
	[tilespmem:$0x13400] =	vst v63  }
0x12: {  	_ =	swait.ge [sflag:s7], $0x8000  }
0x13: {  	[sflag:s7] =	ssyncset.done $0x0  }
0x14: {  	s8 =	rddreg [dreg:$0x4];
	[sflag:s7] =	ssyncadd.s32 $0xFFFF8000  }
0x15: {  	[hbm4b:s8+s2] =	stream.linear.scatter [tilespmem:s6], [sflag:$0x2], $0x8000, $0x38;
	[tilespmem:$0x13400] =	vst v63  }
0x16: {  	s8 =	simm.s32 $0xB400  }
0x17: {  	[tilespmem:s8], [sflag:$0x1] =	stream.indirect.gather [hbm4b:s4+s5], $0x20, s5, s5, $0xb8;
	[tilespmem:$0x13400] =	vst v63  }
0x18: {  	_ =	swait.ge [sflag:s7], $0x8000  }
0x19: {  	[sflag:s7] =	ssyncset.done $0x0  }
0x1a: {  	s9 =	simm.s32 $0x2;
	s10 =	rddreg [dreg:$0x5];
	[sflag:s7] =	ssyncadd.s32 $0xFFFF8000  }
0x1b: {  	[hbm4b:s10+s2] =	stream.linear.scatter [tilespmem:s8], [sflag:$0x2], $0x8000, $0x38;
	[tilespmem:$0x13400] =	vst v63  }
0x1c: {  	_ =	swait.ge [sflag:s9], $0x8000  }
0x1d: {  	[sflag:s9] =	ssyncset.done $0x0  }
0x1e: {  	s10 =	simm.s32 $0x800;
	[sflag:s9] =	ssyncadd.s32 $0xFFFF8000  }
0x1f: {  	[tilespmem:s6], [sflag:$0x1] =	stream.indirect.gather [hbm4b:s4+s5], $0x20, s10, s5, $0xb8;
	[tilespmem:$0x13400] =	vst v63  }
0x20: {  	_ =	swait.ge [sflag:s7], $0x8000  }
0x21: {  	[sflag:s7] =	ssyncset.done $0x0  }
0x22: {  	s11 =	rddreg [dreg:$0x6];
	[sflag:s7] =	ssyncadd.s32 $0xFFFF8000  }
0x23: {  	[hbm4b:s11+s2] =	stream.linear.scatter [tilespmem:s6], [sflag:$0x2], $0x8000, $0x38;
	[tilespmem:$0x13400] =	vst v63  }
0x24: {  	_ =	swait.ge [sflag:s9], $0x8000  }
0x25: {  	[sflag:s9] =	ssyncset.done $0x0  }
0x26: {  	s11 =	simm.s32 $0xC00;
	[sflag:s9] =	ssyncadd.s32 $0xFFFF8000  }
0x27: {  	[tilespmem:s8], [sflag:$0x1] =	stream.indirect.gather [hbm4b:s4+s5], $0x20, s11, s5, $0xb8;
	[tilespmem:$0x13400] =	vst v63  }
0x28: {  	_ =	swait.ge [sflag:s7], $0x8000  }
0x29: {  	[sflag:s7] =	ssyncset.done $0x0  }
0x2a: {  	s12 =	sadd.s32 $0x3000, s31;
	[sflag:s7] =	ssyncadd.s32 $0xFFFF8000  }
0x2b: {  	[hbm4b:s12+s2] =	stream.linear.scatter [tilespmem:s8], [sflag:$0x2], $0x8000, $0x38;
	[tilespmem:$0x13400] =	vst v63  }
0x2c: {  	_ =	swait.ge [sflag:s9], $0x8000  }
0x2d: {  	[sflag:s9] =	ssyncset.done $0x0  }
0x2e: {  	s13 =	simm.s32 $0x1000;
	[sflag:s9] =	ssyncadd.s32 $0xFFFF8000  }
0x2f: {  	[tilespmem:s6], [sflag:$0x1] =	stream.indirect.gather [hbm4b:s4+s5], $0x20, s13, s5, $0xb8;
	[tilespmem:$0x13400] =	vst v63  }
0x30: {  	_ =	swait.ge [sflag:s7], $0x8000  }
0x31: {  	[sflag:s7] =	ssyncset.done $0x0  }
0x32: {  	s14 =	sadd.s32 $0x4000, s31;
	[sflag:s7] =	ssyncadd.s32 $0xFFFF8000  }
0x33: {  	[hbm4b:s14+s2] =	stream.linear.scatter [tilespmem:s6], [sflag:$0x2], $0x8000, $0x38;
	[tilespmem:$0x13400] =	vst v63  }
0x34: {  	_ =	swait.ge [sflag:s9], $0x8000  }
0x35: {  	[sflag:s9] =	ssyncset.done $0x0  }
0x36: {  	s15 =	simm.s32 $0x1400;
	[sflag:s9] =	ssyncadd.s32 $0xFFFF8000  }
0x37: {  	[tilespmem:s8], [sflag:$0x1] =	stream.indirect.gather [hbm4b:s4+s5], $0x20, s15, s5, $0xb8;
	[tilespmem:$0x13400] =	vst v63  }
0x38: {  	_ =	swait.ge [sflag:s7], $0x8000  }
0x39: {  	[sflag:s7] =	ssyncset.done $0x0  }
0x3a: {  	s16 =	sadd.s32 $0x5000, s31;
	[sflag:s7] =	ssyncadd.s32 $0xFFFF8000  }
0x3b: {  	[hbm4b:s16+s2] =	stream.linear.scatter [tilespmem:s8], [sflag:$0x2], $0x8000, $0x38;
	[tilespmem:$0x13400] =	vst v63  }
0x3c: {  	_ =	swait.ge [sflag:s9], $0x8000  }
0x3d: {  	[sflag:s9] =	ssyncset.done $0x0  }
0x3e: {  	s17 =	simm.s32 $0x1800;
	[sflag:s9] =	ssyncadd.s32 $0xFFFF8000  }
0x3f: {  	[tilespmem:s6], [sflag:$0x1] =	stream.indirect.gather [hbm4b:s4+s5], $0x20, s17, s5, $0xb8;
	[tilespmem:$0x13400] =	vst v63  }
0x40: {  	_ =	swait.ge [sflag:s7], $0x8000  }
0x41: {  	[sflag:s7] =	ssyncset.done $0x0  }
0x42: {  	s18 =	sadd.s32 $0x6000, s31;
	[sflag:s7] =	ssyncadd.s32 $0xFFFF8000  }
0x43: {  	[hbm4b:s18+s2] =	stream.linear.scatter [tilespmem:s6], [sflag:$0x2], $0x8000, $0x38;
	[tilespmem:$0x13400] =	vst v63  }
0x44: {  	_ =	swait.ge [sflag:s9], $0x8000  }
0x45: {  	[sflag:s9] =	ssyncset.done $0x0  }
0x46: {  	s19 =	simm.s32 $0x1C00;
	[sflag:s9] =	ssyncadd.s32 $0xFFFF8000  }
0x47: {  	[tilespmem:s8], [sflag:$0x1] =	stream.indirect.gather [hbm4b:s4+s5], $0x20, s19, s5, $0xb8;
	[tilespmem:$0x13400] =	vst v63  }
0x48: {  	_ =	swait.ge [sflag:s7], $0x8000  }
0x49: {  	[sflag:s7] =	ssyncset.done $0x0  }
0x4a: {  	s20 =	sadd.s32 $0x7000, s31;
	[sflag:s7] =	ssyncadd.s32 $0xFFFF8000  }
0x4b: {  	[hbm4b:s20+s2] =	stream.linear.scatter [tilespmem:s8], [sflag:$0x2], $0x8000, $0x38;
	[tilespmem:$0x13400] =	vst v63  }
0x4c: {  	_ =	swait.ge [sflag:s9], $0x8000  }
0x4d: {  	[sflag:s9] =	ssyncset.done $0x0  }
0x4e: {  	s21 =	simm.s32 $0x2000;
	[sflag:s9] =	ssyncadd.s32 $0xFFFF8000  }
0x4f: {  	[tilespmem:s6], [sflag:$0x1] =	stream.indirect.gather [hbm4b:s4+s5], $0x20, s21, s5, $0xb8;
	[tilespmem:$0x13400] =	vst v63  }
0x50: {  	_ =	swait.ge [sflag:s7], $0x8000  }
0x51: {  	[sflag:s7] =	ssyncset.done $0x0  }
0x52: {  	s22 =	sadd.s32 $0x8000, s31;
	[sflag:s7] =	ssyncadd.s32 $0xFFFF8000  }
0x53: {  	[hbm4b:s22+s2] =	stream.linear.scatter [tilespmem:s6], [sflag:$0x2], $0x8000, $0x38;
	[tilespmem:$0x13400] =	vst v63  }
0x54: {  	_ =	swait.ge [sflag:s9], $0x8000  }
0x55: {  	[sflag:s9] =	ssyncset.done $0x0  }
0x56: {  	s23 =	simm.s32 $0x2400;
	[sflag:s9] =	ssyncadd.s32 $0xFFFF8000  }
0x57: {  	[tilespmem:s8], [sflag:$0x1] =	stream.indirect.gather [hbm4b:s4+s5], $0x20, s23, s5, $0xb8;
	[tilespmem:$0x13400] =	vst v63  }
0x58: {  	_ =	swait.ge [sflag:s7], $0x8000  }
0x59: {  	[sflag:s7] =	ssyncset.done $0x0  }
0x5a: {  	s24 =	sadd.s32 $0x9000, s31;
	[sflag:s7] =	ssyncadd.s32 $0xFFFF8000  }
0x5b: {  	[hbm4b:s24+s2] =	stream.linear.scatter [tilespmem:s8], [sflag:$0x2], $0x8000, $0x38;
	[tilespmem:$0x13400] =	vst v63  }
0x5c: {  	_ =	swait.ge [sflag:s9], $0x8000  }
0x5d: {  	[sflag:s9] =	ssyncset.done $0x0  }
0x5e: {  	s25 =	simm.s32 $0x2800;
	[sflag:s9] =	ssyncadd.s32 $0xFFFF8000  }
0x5f: {  	[tilespmem:s6], [sflag:$0x1] =	stream.indirect.gather [hbm4b:s4+s5], $0x20, s25, s5, $0xb8;
	[tilespmem:$0x13400] =	vst v63  }
0x60: {  	_ =	swait.ge [sflag:s7], $0x8000  }
0x61: {  	[sflag:s7] =	ssyncset.done $0x0  }
0x62: {  	s26 =	sadd.s32 $0xA000, s31;
	[sflag:s7] =	ssyncadd.s32 $0xFFFF8000  }
0x63: {  	[hbm4b:s26+s2] =	stream.linear.scatter [tilespmem:s6], [sflag:$0x2], $0x8000, $0x38;
	[tilespmem:$0x13400] =	vst v63  }
0x64: {  	_ =	swait.ge [sflag:s9], $0x8000  }
0x65: {  	[sflag:s9] =	ssyncset.done $0x0  }
0x66: {  	s28 =	simm.s32 $0x2C00;
	[sflag:s9] =	ssyncadd.s32 $0xFFFF8000  }
0x67: {  	[tilespmem:s8], [sflag:$0x1] =	stream.indirect.gather [hbm4b:s4+s5], $0x20, s28, s5, $0xb8;
	[tilespmem:$0x13400] =	vst v63  }
0x68: {  	_ =	swait.ge [sflag:s7], $0x8000  }
0x69: {  	[sflag:s7] =	ssyncset.done $0x0  }
0x6a: {  	s29 =	sadd.s32 $0xB000, s31;
	[sflag:s7] =	ssyncadd.s32 $0xFFFF8000  }
0x6b: {  	[hbm4b:s29+s2] =	stream.linear.scatter [tilespmem:s8], [sflag:$0x2], $0x8000, $0x38;
	[tilespmem:$0x13400] =	vst v63  }
0x6c: {  	_ =	swait.ge [sflag:s9], $0x8000  }
0x6d: {  	s1 =	ssub.s32 $0x2, s1;
	[sflag:s9] =	ssyncset.done $0x0  }
0x6e: {  	s30 =	simm.s32 $0x3000;
	s0 =	sshrl.u32 s1, $0x1;
	[sflag:s9] =	ssyncadd.s32 $0xFFFF8000  }
0x6f: {  	[tilespmem:s6], [sflag:$0x1] =	stream.indirect.gather [hbm4b:s4+s5], $0x20, s30, s5, $0xb8;
	[tilespmem:$0x13400] =	vst v63  }
0x70: {  	s0 =	ssub.s32 s1, s0;
	_ =	swait.ge [sflag:s7], $0x8000  }
0x71: {  	s0 =	smax.u32 s0, $0x1;
	[sflag:s7] =	ssyncset.done $0x0  }
0x72: {  	p0 =	sne.s32 s0, $0x1;
	s31 =	sadd.s32 $0xC000, s31;
	[sflag:s7] =	ssyncadd.s32 $0xFFFF8000  }
0x73: {  	[hbm4b:s31+s2] =	stream.linear.scatter [tilespmem:s6], [sflag:$0x2], $0x8000, $0x38;
	[tilespmem:$0x13400] =	vst v63  }
.Ltmp0:
0x74: {  	_ =	swait.ge [sflag:s9], $0x8000;
	(pc) =	sbr.rel @!p0 .LBB2_2-.Ltmp0, $4  }
0x75: {  	[sflag:s9] =	ssyncset.done $0x0  }
0x76: {  	[sflag:s9] =	ssyncadd.s32 $0xFFFF8000  }
0x77: {  	_ =	swait.ge [sflag:s9], $0x8000  }
0x78: {  	s1 =	sadd.s32 $0xFFFFFFFF, s0;
	[sflag:s9] =	ssyncset.done $0x0  }
.LBB2_1:
0x79: {  	s0 =	rddreg [dreg:$0x3];
	[sflag:s9] =	ssyncadd.s32 $0xFFFF8000  }
0x7a: {  	[tilespmem:s2], [sflag:$0x3] =	stream.linear.gather [hbm4b:s0+s2], $0x3400, $0x38;
	[tilespmem:$0x13400] =	vst v63  }
0x7b: {  	_ =	swait.ge [sflag:s3], $0x3400  }
0x7c: {  	[sflag:s3] =	ssyncset.done $0x0  }
0x7d: {  	[sflag:s3] =	ssyncadd.s32 $0xFFFFCC00  }
0x7e: {  	[tilespmem:s6], [sflag:$0x1] =	stream.indirect.gather [hbm4b:s4+s5], $0x20, s2, s5, $0xb8;
	[tilespmem:$0x13400] =	vst v63  }
0x7f: {  	_ =	swait.ge [sflag:s7], $0x8000  }
0x80: {  	[sflag:s7] =	ssyncset.done $0x0  }
0x81: {  	s0 =	rddreg [dreg:$0x4];
	[sflag:s7] =	ssyncadd.s32 $0xFFFF8000  }
0x82: {  	[hbm4b:s0+s2] =	stream.linear.scatter [tilespmem:s6], [sflag:$0x2], $0x8000, $0x38;
	[tilespmem:$0x13400] =	vst v63  }
0x83: {  	_ = 	snop  }
0x84: {  	[tilespmem:s8], [sflag:$0x1] =	stream.indirect.gather [hbm4b:s4+s5], $0x20, s5, s5, $0xb8;
	[tilespmem:$0x13400] =	vst v63  }
0x85: {  	_ =	swait.ge [sflag:s7], $0x8000  }
0x86: {  	[sflag:s7] =	ssyncset.done $0x0  }
0x87: {  	s0 =	rddreg [dreg:$0x5];
	[sflag:s7] =	ssyncadd.s32 $0xFFFF8000  }
0x88: {  	[hbm4b:s0+s2] =	stream.linear.scatter [tilespmem:s8], [sflag:$0x2], $0x8000, $0x38;
	[tilespmem:$0x13400] =	vst v63  }
0x89: {  	_ =	swait.ge [sflag:s9], $0x8000  }
0x8a: {  	[sflag:s9] =	ssyncset.done $0x0  }
0x8b: {  	[sflag:s9] =	ssyncadd.s32 $0xFFFF8000  }
0x8c: {  	[tilespmem:s6], [sflag:$0x1] =	stream.indirect.gather [hbm4b:s4+s5], $0x20, s10, s5, $0xb8;
	[tilespmem:$0x13400] =	vst v63  }
0x8d: {  	_ =	swait.ge [sflag:s7], $0x8000  }
0x8e: {  	[sflag:s7] =	ssyncset.done $0x0  }
0x8f: {  	s0 =	rddreg [dreg:$0x6];
	[sflag:s7] =	ssyncadd.s32 $0xFFFF8000  }
0x90: {  	[hbm4b:s0+s2] =	stream.linear.scatter [tilespmem:s6], [sflag:$0x2], $0x8000, $0x38;
	[tilespmem:$0x13400] =	vst v63  }
0x91: {  	_ =	swait.ge [sflag:s9], $0x8000  }
0x92: {  	[sflag:s9] =	ssyncset.done $0x0  }
0x93: {  	[sflag:s9] =	ssyncadd.s32 $0xFFFF8000  }
0x94: {  	[tilespmem:s8], [sflag:$0x1] =	stream.indirect.gather [hbm4b:s4+s5], $0x20, s11, s5, $0xb8;
	[tilespmem:$0x13400] =	vst v63  }
0x95: {  	_ =	swait.ge [sflag:s7], $0x8000  }
0x96: {  	[sflag:s7] =	ssyncset.done $0x0  }
0x97: {  	[sflag:s7] =	ssyncadd.s32 $0xFFFF8000  }
0x98: {  	[hbm4b:s12+s2] =	stream.linear.scatter [tilespmem:s8], [sflag:$0x2], $0x8000, $0x38;
	[tilespmem:$0x13400] =	vst v63  }
0x99: {  	_ =	swait.ge [sflag:s9], $0x8000  }
0x9a: {  	[sflag:s9] =	ssyncset.done $0x0  }
0x9b: {  	[sflag:s9] =	ssyncadd.s32 $0xFFFF8000  }
0x9c: {  	[tilespmem:s6], [sflag:$0x1] =	stream.indirect.gather [hbm4b:s4+s5], $0x20, s13, s5, $0xb8;
	[tilespmem:$0x13400] =	vst v63  }
0x9d: {  	_ =	swait.ge [sflag:s7], $0x8000  }
0x9e: {  	[sflag:s7] =	ssyncset.done $0x0  }
0x9f: {  	[sflag:s7] =	ssyncadd.s32 $0xFFFF8000  }
0xa0: {  	[hbm4b:s14+s2] =	stream.linear.scatter [tilespmem:s6], [sflag:$0x2], $0x8000, $0x38;
	[tilespmem:$0x13400] =	vst v63  }
0xa1: {  	_ =	swait.ge [sflag:s9], $0x8000  }
0xa2: {  	[sflag:s9] =	ssyncset.done $0x0  }
0xa3: {  	[sflag:s9] =	ssyncadd.s32 $0xFFFF8000  }
0xa4: {  	[tilespmem:s8], [sflag:$0x1] =	stream.indirect.gather [hbm4b:s4+s5], $0x20, s15, s5, $0xb8;
	[tilespmem:$0x13400] =	vst v63  }
0xa5: {  	_ =	swait.ge [sflag:s7], $0x8000  }
0xa6: {  	[sflag:s7] =	ssyncset.done $0x0  }
0xa7: {  	[sflag:s7] =	ssyncadd.s32 $0xFFFF8000  }
0xa8: {  	[hbm4b:s16+s2] =	stream.linear.scatter [tilespmem:s8], [sflag:$0x2], $0x8000, $0x38;
	[tilespmem:$0x13400] =	vst v63  }
0xa9: {  	_ =	swait.ge [sflag:s9], $0x8000  }
0xaa: {  	[sflag:s9] =	ssyncset.done $0x0  }
0xab: {  	[sflag:s9] =	ssyncadd.s32 $0xFFFF8000  }
0xac: {  	[tilespmem:s6], [sflag:$0x1] =	stream.indirect.gather [hbm4b:s4+s5], $0x20, s17, s5, $0xb8;
	[tilespmem:$0x13400] =	vst v63  }
0xad: {  	_ =	swait.ge [sflag:s7], $0x8000  }
0xae: {  	[sflag:s7] =	ssyncset.done $0x0  }
0xaf: {  	[sflag:s7] =	ssyncadd.s32 $0xFFFF8000  }
0xb0: {  	[hbm4b:s18+s2] =	stream.linear.scatter [tilespmem:s6], [sflag:$0x2], $0x8000, $0x38;
	[tilespmem:$0x13400] =	vst v63  }
0xb1: {  	_ =	swait.ge [sflag:s9], $0x8000  }
0xb2: {  	[sflag:s9] =	ssyncset.done $0x0  }
0xb3: {  	[sflag:s9] =	ssyncadd.s32 $0xFFFF8000  }
0xb4: {  	[tilespmem:s8], [sflag:$0x1] =	stream.indirect.gather [hbm4b:s4+s5], $0x20, s19, s5, $0xb8;
	[tilespmem:$0x13400] =	vst v63  }
0xb5: {  	_ =	swait.ge [sflag:s7], $0x8000  }
0xb6: {  	[sflag:s7] =	ssyncset.done $0x0  }
0xb7: {  	[sflag:s7] =	ssyncadd.s32 $0xFFFF8000  }
0xb8: {  	[hbm4b:s20+s2] =	stream.linear.scatter [tilespmem:s8], [sflag:$0x2], $0x8000, $0x38;
	[tilespmem:$0x13400] =	vst v63  }
0xb9: {  	_ =	swait.ge [sflag:s9], $0x8000  }
0xba: {  	[sflag:s9] =	ssyncset.done $0x0  }
0xbb: {  	[sflag:s9] =	ssyncadd.s32 $0xFFFF8000  }
0xbc: {  	[tilespmem:s6], [sflag:$0x1] =	stream.indirect.gather [hbm4b:s4+s5], $0x20, s21, s5, $0xb8;
	[tilespmem:$0x13400] =	vst v63  }
0xbd: {  	_ =	swait.ge [sflag:s7], $0x8000  }
0xbe: {  	[sflag:s7] =	ssyncset.done $0x0  }
0xbf: {  	[sflag:s7] =	ssyncadd.s32 $0xFFFF8000  }
0xc0: {  	[hbm4b:s22+s2] =	stream.linear.scatter [tilespmem:s6], [sflag:$0x2], $0x8000, $0x38;
	[tilespmem:$0x13400] =	vst v63  }
0xc1: {  	_ =	swait.ge [sflag:s9], $0x8000  }
0xc2: {  	[sflag:s9] =	ssyncset.done $0x0  }
0xc3: {  	[sflag:s9] =	ssyncadd.s32 $0xFFFF8000  }
0xc4: {  	[tilespmem:s8], [sflag:$0x1] =	stream.indirect.gather [hbm4b:s4+s5], $0x20, s23, s5, $0xb8;
	[tilespmem:$0x13400] =	vst v63  }
0xc5: {  	_ =	swait.ge [sflag:s7], $0x8000  }
0xc6: {  	[sflag:s7] =	ssyncset.done $0x0  }
0xc7: {  	[sflag:s7] =	ssyncadd.s32 $0xFFFF8000  }
0xc8: {  	[hbm4b:s24+s2] =	stream.linear.scatter [tilespmem:s8], [sflag:$0x2], $0x8000, $0x38;
	[tilespmem:$0x13400] =	vst v63  }
0xc9: {  	_ =	swait.ge [sflag:s9], $0x8000  }
0xca: {  	[sflag:s9] =	ssyncset.done $0x0  }
0xcb: {  	[sflag:s9] =	ssyncadd.s32 $0xFFFF8000  }
0xcc: {  	[tilespmem:s6], [sflag:$0x1] =	stream.indirect.gather [hbm4b:s4+s5], $0x20, s25, s5, $0xb8;
	[tilespmem:$0x13400] =	vst v63  }
0xcd: {  	_ =	swait.ge [sflag:s7], $0x8000  }
0xce: {  	[sflag:s7] =	ssyncset.done $0x0  }
0xcf: {  	[sflag:s7] =	ssyncadd.s32 $0xFFFF8000  }
0xd0: {  	[hbm4b:s26+s2] =	stream.linear.scatter [tilespmem:s6], [sflag:$0x2], $0x8000, $0x38;
	[tilespmem:$0x13400] =	vst v63  }
0xd1: {  	_ =	swait.ge [sflag:s9], $0x8000  }
0xd2: {  	[sflag:s9] =	ssyncset.done $0x0  }
0xd3: {  	[sflag:s9] =	ssyncadd.s32 $0xFFFF8000  }
0xd4: {  	[tilespmem:s8], [sflag:$0x1] =	stream.indirect.gather [hbm4b:s4+s5], $0x20, s28, s5, $0xb8;
	[tilespmem:$0x13400] =	vst v63  }
0xd5: {  	_ =	swait.ge [sflag:s7], $0x8000  }
0xd6: {  	[sflag:s7] =	ssyncset.done $0x0  }
0xd7: {  	[sflag:s7] =	ssyncadd.s32 $0xFFFF8000  }
0xd8: {  	[hbm4b:s29+s2] =	stream.linear.scatter [tilespmem:s8], [sflag:$0x2], $0x8000, $0x38;
	[tilespmem:$0x13400] =	vst v63  }
0xd9: {  	_ =	swait.ge [sflag:s9], $0x8000  }
0xda: {  	[sflag:s9] =	ssyncset.done $0x0  }
0xdb: {  	[sflag:s9] =	ssyncadd.s32 $0xFFFF8000  }
0xdc: {  	[tilespmem:s6], [sflag:$0x1] =	stream.indirect.gather [hbm4b:s4+s5], $0x20, s30, s5, $0xb8;
	[tilespmem:$0x13400] =	vst v63  }
0xdd: {  	_ =	swait.ge [sflag:s7], $0x8000  }
0xde: {  	[sflag:s7] =	ssyncset.done $0x0  }
0xdf: {  	p0 =	sne.s32 s1, $0x1;
	[sflag:s7] =	ssyncadd.s32 $0xFFFF8000  }
0xe0: {  	[hbm4b:s31+s2] =	stream.linear.scatter [tilespmem:s6], [sflag:$0x2], $0x8000, $0x38;
	[tilespmem:$0x13400] =	vst v63  }
.Ltmp1:
0xe1: {  	_ =	swait.ge [sflag:s9], $0x8000;
	(pc) =	sbr.rel @p0 .LBB2_1-.Ltmp1, $4  }
0xe2: {  	[sflag:s9] =	ssyncset.done $0x0  }
0xe3: {  	[sflag:s9] =	ssyncadd.s32 $0xFFFF8000  }
0xe4: {  	_ =	swait.ge [sflag:s9], $0x8000  }
0xe5: {  	s1 =	sadd.s32 $0xFFFFFFFF, s1;
	[sflag:s9] =	ssyncset.done $0x0  }
.LBB2_2:
0xe6: {  	[sflag:s9] =	ssyncadd.s32 $0xFFFF8000  }
0xe7: {  	_ =	sfence.sel $0x180000  }
0xe8: {  	[bflag:$0x0] =	sbarrier.arrive $0xFFFF  }
0xe9: {  	_ =	strace $0x90000047  }
0xea: {  	s0 =	stileid.u32;
	[bflag:$0x2] =	sbarrier.arrive $0xFFFF  }
0xeb: {  	p0 =	sne.s32 s0, $0x0;
	s0 =	rddreg [dreg:$0x2]  }
0xec: {  	s0 =	sadd.s32 @!p0 $0x100000, s0  }
0xed: {  	[sflag:s0] =	ssyncadd.tile.s32 @!p0 $0x1;
	_ =	shalt  }
.Lfunc_end2:
_tile_overlayer_lowered:
.L_overlay_start_2:
0xee: {  	(tag) =	ssettag $0x2  }
0xef: {  	s0 =	rddreg [dreg:$0x0];
	s2 =	stileid.u32  }
0xf0: {  	s1 =	rddreg [dreg:$0x1];
	p0 =	sne.s32 s2, $0x0  }
0xf1: {  	s3 =	rddreg [dreg:$0x2];
	[bflag:$0x3] =	sbarrier.arrive $0xFFFF;
	s2 =	simm.s32 @!p0 $0x1C03  }
0xf2: {  	[timem:s3], [sflag:s2] =	dma.local @!p0 [hbm:s0], s1  }
0xf3: {  	s0 =	simm.s32 @!p0 $0x3  }
0xf4: {  	_ =	swait.ge @!p0 [sflag:s0], s1  }
0xf5: {  	s1 =	ssub.s32 @!p0 $0x0, s1;
	[sflag:s0] =	ssyncset.done @!p0 $0x0  }
0xf6: {  	[sflag:s0] =	ssyncadd.s32 @!p0 s1  }
0xf7: {  	[bflag:$0x3] =	sbarrier.arrive $0xFFFF  }
0xf8: {  	_ =	shalt  }

// kernel: sparse-core-data-format-call.cloned.1.call-start
scs
called_computation_lowered:
.L_overlay_start_0:
0x0: {  	s2 =	sld [smem:$0x3FD9]  }
0x1: {  	s3 =	sld [smem:$0x3FFE];
	_ =	sdelay $0x1  }
0x2: {  	s1 =	srdreg.scid  }
0x3: {  	s0 =	sand.u32 $0x1, s1  }
0x4: {  	s18 =	sshll.u32 s0, $0xA;
	s2 =	sadd.s32 s3, s2  }
0x5: {  	s2 =	sadd.s32 s2, s18  }
0x6: {  	[smem:$0x3FC6] =	sst s2  }
0x7: {  	_ = 	snop  }
0x8: {  	s2 =	sld [smem:$0x3FD0];
	(tm) =	ssettm $0x1  }
0x9: {  	s19 =	sld [smem:$0x3FFB];
	_ =	sdelay $0x3  }
0xa: {  	_ =	strace s19  }
0xb: {  	s3 =	sld [smem:$0x3FFC];
	_ =	sdelay $0x3  }
0xc: {  	_ =	strace s3  }
0xd: {  	s3 =	sld [smem:$0x3FFD];
	_ =	sdelay $0x3  }
0xe: {  	_ =	strace s3  }
0xf: {  	_ =	strace $0x8FFFFFFF  }
0x10: {  	s20 =	sld [smem:$0x3FDB];
	_ =	sdelay $0x1  }
0x11: {  	s4 =	simm.s32 $_scs_section_size  }
0x12: {  	s5 =	simm.s32 $_size__tile_overlayer_lowered;
	s6 =	simm.s32 $_tile_overlayer_lowered  }
0x13: {  	s23 =	simm.s32 $0x1BFF;
	s22 =	sshll.u32 s6, $0x1;
	s3 =	sadd.s32 s4, s20  }
0x14: {  	s7 =	simm.s32 $0x0;
	s21 =	sshll.u32 s5, $0x1;
	s5 =	sadd.s32 s22, s3  }
0x15: {  	[timem:s7], [sflag:s23] =	dma.local [hbm:s5], s21  }
0x16: {  	_ =	swait.ge [sflag:s23], s21  }
0x17: {  	s4 =	ssub.s32 $0x0, s21;
	[sflag:s23] =	ssyncset.done $0x0  }
0x18: {  	[sflag:s23] =	ssyncadd.s32 s4;
	_ =	sdelay $0x1  }
0x19: {  	s24 =	simm.s32 $0x1B8B  }
0x1a: {  	_ =	swait.ge [sflag:s24], $0x1  }
0x1b: {  	[sflag:s24] =	ssyncset.done $0x0  }
0x1c: {  	s26 =	simm.s32 $0x1B8E;
	s25 =	sld [smem:$0x3FFE];
	[sflag:s24] =	ssyncadd.s32 $0xFFFFFFFF  }
0x1d: {  	s27 =	simm.s32 $execute0_lowered;
	[smem:$0x3FD2] =	sst s26  }
0x1e: {  	s5 =	sshll.u32 s27, $0x1;
	_ =	strace $0x80000049;
	[dreg:$0x1] =	wrdreg $0xFFFFFFFF  }
0x1f: {  	s28 =	simm.s32 $_size_execute0_lowered;
	s3 =	sadd.s32 s3, s5;
	[dreg:$0x0] =	wrdreg $0x0  }
0x20: {  	s5 =	sshll.u32 s28, $0x1;
	[dreg:$0x2] =	wrdreg s3  }
0x21: {  	[dreg:$0x3] =	wrdreg s5  }
0x22: {  	[dreg:$0x4] =	wrdreg $0xC0  }
0x23: {  	_ =	task [dreg:s7], $0x5FFFF  }
0x24: {  	[dreg:$0x1] =	wrdreg $0xFFFFFFFF  }
0x25: {  	[dreg:$0x0] =	wrdreg $0x60  }
0x26: {  	[dreg:$0x2] =	wrdreg s25  }
0x27: {  	[dreg:$0x3] =	wrdreg s2  }
0x28: {  	[dreg:$0x4] =	wrdreg $0x9  }
0x29: {  	_ =	task.clear_ibuf [dreg:s7], $0x5FFFF;
	_ =	strace $0x90000049  }
0x2a: {  	s29 =	simm.s32 $0x9;
	_ =	strace $0x8000004B  }
0x2b: {  	_ =	swait.ge [sflag:s29], $0x1  }
0x2c: {  	[sflag:s29] =	ssyncadd.s32 $0xFFFFFFFF  }
0x2d: {  	_ =	strace $0x9000004B  }
0x2e: {  	_ =	sfence  }
0x2f: {  	s30 =	sld [smem:$0x0];
	_ =	sdelay $0x2  }
0x30: {  	s31 =	sshll.u32 s1, $0xD;
	s1 =	sshrl.u32 s1, $0x2  }
0x31: {  	s3 =	sand.u32 $0x4000, s31;
	s1 =	sadd.s32 s1, s30  }
0x32: {  	s0 =	sor.u32 s3, s0;
	s1 =	sshll.u32 s1, $0x11  }
0x33: {  	s0 =	sor.u32 s1, s0  }
0x34: {  	s0 =	sadd.s32 $0x8F2B, s0  }
0x35: {  	[sflag:s0] =	ssyncadd.remote.s32 $0x1  }
0x36: {  	_ =	sfence.sel $0xFFFF  }
0x37: {  	[dreg:$0x0] =	wrdreg $0xFFFFFFFF;
	(pc) =	sbr.abs _section_cstart, $3  }
0x38: {  	[dreg:$0x1] =	wrdreg $0xFFFFFFFF  }
0x39: {  	_ =	task.clear_ibuf [dreg:s7], $0x2FFFF;
	_ =	strace $0x9FFFFFFF  }
0x3a: {  	(tm) =	ssettm $0x7FFFFFFF  }
0x3b: {  	_ =	shalt  }
tec
execute0_lowered:
.L_overlay_start_1:
0x0: {  	(tag) =	ssettag $0x1  }
0x1: {  	s0 =	srdreg.scid  }
0x2: {  	s1 =	sshll.u32 s0, $0x4  }
0x3: {  	s0 =	stileid.u32;
	s1 =	sand.u32 $0x10, s1  }
0x4: {  	s1 =	sor.u32 s0, s1  }
0x5: {  	s6 =	rddreg [dreg:$0x0];
	s4 =	simm.s32 $0x1;
	s2 =	sshll.u32 s1, $0x7  }
0x6: {  	s7 =	simm.s32 $0x2;
	s12 =	simm.s32 $0x0;
	s1 =	ssub.s32 $0x4000, s2  }
0x7: {  	s8 =	simm.s32 $0x20000;
	s13 =	simm.s32 $0x0;
	s3 =	sand.u32 $0xF80, s1  }
0x8: {  	s9 =	simm.s32 $0x0;
	s5 =	sshrl.u32 s1, $0xC;
	p0 =	sne.s32 s3, $0x0  }
.Ltmp0:
0x9: {  	s1 =	rddreg [dreg:$0x2];
	s4 =	simm.s32 @!p0 $0x0;
	(pc) =	sbr.rel .LBB1_1-.Ltmp0, $4  }
0xa: {  	s11 =	simm.s32 $0x0;
	s3 =	rddreg [dreg:$0x1];
	s5 =	sadd.s32 s4, s5  }
0xb: {  	_ =	strace $0x8000004A;
	s4 =	simm.s32 $0x1;
	s5 =	smul.u32 $0x1A, s5  }
0xc: {  	s6 =	sadd.s32 $0xA00, s6;
	s10 =	smov.u32 s2;
	[sflag:s4] =	ssyncpa.u1 $0x0  }
0xd: {  	p0 =	por $0x0, $0x0;
	[sflag:s7] =	ssyncpa.u1 $0x0;
	s7 =	sor.u32 $0x1, s5  }
.LBB1_4:
0xe: {  	s16 =	sshll.u32 s13, $0x3;
	s17 =	sand.u32 $0x78, s13  }
0xf: {  	s30 =	sand.u32 $0xF800, s13;
	s12 =	sshll.u32 s12, $0x10;
	s16 =	sand.u32 $0x3C00, s16  }
0x10: {  	s31 =	sand.u32 $0x7, s13;
	s16 =	sor.u32 s17, s16;
	s17 =	sadd.s32 s3, s30  }
0x11: {  	s13 =	sshll.u32 s31, $0x12;
	s16 =	sshrl.u32 s16, $0x3;
	s12 =	sadd.s32 s12, s17  }
0x12: {  	[tilespmem:s15+$0x0 ss:$0x81] =	vst.msk $0xffff, v0;
	s13 =	sor.u32 $0x400, s13;
	s12 =	sadd.s32 s16, s12  }
0x13: {  	[hbm4b:s12+s13] =	stream.strided.scatter [tilespmem:s14], [sflag:$0x2], $0x1000, s8, s13, $0x20;
	[tilespmem:$0x4040] =	vst v63  }
.LBB1_5:
0x14: {  	s14 =	sadd.s32 $0x1, s9  }
0x15: {  	s12 =	sadd.s32 $0x1000, s10;
	s16 =	smov.u32 s10;
	p2 =	sgt.s32 s14, $0x19  }
0x16: {  	s16 =	smov.u32 @p2 s12  }
0x17: {  	s14 =	simm.s32 @p2 $0x0;
	p2 =	sgt.s32 s16, $0x3FFF  }
0x18: {  	s16 =	smov.u32 @p2 s2;
	p2 =	sne.s32 s11, s7  }
.Ltmp1:
0x19: {  	p1 =	slt.u32 s11, $0x2;
	(pc) =	sbr.rel @!p2 .LBB1_6-.Ltmp1, $4  }
0x1a: {  	s15 =	simm.s32 @!p1 $0x2  }
0x1b: {  	s13 =	smov.u32 s10;
	p0 =	por !p0, !p0;
	_ =	swait.ge @!p1 [sflag:s15], $0x1000  }
0x1c: {  	s12 =	smov.u32 s9;
	[sflag:s15] =	ssyncset.done @!p1 $0x0;
	s9 =	smov.u32 s14  }
0x1d: {  	s11 =	sadd.s32 $0x1, s11;
	[sflag:s15] =	ssyncadd.s32 @!p1 $0xFFFFF000;
	s10 =	smov.u32 s16  }
.LBB1_1:
0x1e: {  	p1 =	sge.u32 s11, s5  }
0x1f: {  	s31 =	sadd.s32 $0xFFFFFFFF, s11;
	s14 =	sxor.u32 @!p1 $0xFFFFFFFF, s11  }
0x20: {  	s15 =	sshll.u32 @!p1 s10, $0x9;
	s16 =	sshll.u32 @!p1 s9, $0x4;
	s17 =	simm.s32 @!p1 $0x1000  }
0x21: {  	s14 =	sshll.u32 @!p1 s14, $0xC;
	s16 =	sand.u32 @!p1 $0x1F0, s16;
	s15 =	sadd.s32 @!p1 s6, s15  }
0x22: {  	s14 =	sand.u32 @!p1 $0x1000, s14;
	s15 =	sadd.s32 @!p1 s16, s15;
	s16 =	simm.s32 @!p1 $0x20  }
0x23: {  	[tilespmem:s14], [sflag:$0x1] =	stream.strided.gather @!p1 [hbm4b:s15+s16], $0x1000, s17, s16, $0x38;
	[tilespmem:$0x4040] =	vst v63  }
0x24: {  	p1 =	sge.u32 s31, s5  }
.Ltmp2:
0x25: {  	_ = 	snop;
	(pc) =	sbr.rel @p1 .LBB1_5-.Ltmp2, $1  }
0x26: {  	_ =	sdelay $0x3  }
0x27: {  	s14 =	simm.s32 $0x1  }
0x28: {  	_ =	swait.ge [sflag:s4], $0x1000;
	s14 =	simm.s32 @!p0 $0x0  }
0x29: {  	[sflag:s4] =	ssyncset.done $0x0;
	s15 =	sshll.u32 s14, $0xC  }
0x2a: {  	[sflag:s4] =	ssyncadd.s32 $0xFFFFF000;
	s18 =	sor.u32 $0x10, s15  }
0x2b: {  	s14 =	smul.u32 $0x4080, s14;
	v1 =	vld [tilespmem:s18+$0x0]  }
0x2c: {  	s30 =	sand.u32 $0x1, s11;
	v0 =	vld [tilespmem:s18+$0xFFFFFFF0]  }
0x2d: {  	s15 =	smul.u32 $0x4080, s30;
	s14 =	sshrl.u32 s14, $0x2  }
0x2e: {  	s16 =	sor.u32 $0x2000, s14  }
0x2f: {  	s31 =	sshrl.u32 s15, $0x2;
	s15 =	sadd.s32 $0x0, s16  }
0x30: {  	s17 =	simm.s32 $0x4;
	s18 =	sadd.s32 $0x20, s18;
	s14 =	sor.u32 $0x2000, s31;
	[tilespmem:s15+$0x810 ss:$0x81] =	vst.msk $0xffff, v1  }
.LBB1_3:
0x31: {  	v1 =	vld [tilespmem:s18+$0x0];
	p1 =	sne.s32 s17, $0x1FC;
	[tilespmem:s15+$0x0 ss:$0x81] =	vst.msk $0xffff, v0;
	s15 =	smov.u32 s17;
	s17 =	sadd.s32 $0x4, s17  }
.Ltmp3:
0x32: {  	v0 =	vld [tilespmem:s18+$0xFFFFFFF0];
	(pc) =	sbr.rel @p1 .LBB1_3-.Ltmp3, $4  }
0x33: {  	_ = 	snop  }
0x34: {  	s15 =	sshra.s32 s15, $0x2  }
0x35: {  	s15 =	sadd.s32 s15, s16  }
0x36: {  	s18 =	sadd.s32 $0x20, s18;
	[tilespmem:s15+$0x810 ss:$0x81] =	vst.msk $0xffff, v1  }
.Ltmp4:
0x37: {  	_ = 	snop;
	(pc) =	sbr.rel .LBB1_4-.Ltmp4, $1  }
0x38: {  	_ =	sdelay $0x3  }
.LBB1_6:
0x39: {  	_ =	sfence.sel $0x180000  }
0x3a: {  	s2 =	simm.s32 $0x1;
	[bflag:$0x0] =	sbarrier.arrive $0xFFFF  }
0x3b: {  	s31 =	simm.s32 $0x2;
	[sflag:s2] =	ssyncpa.u1 $0x1  }
0x3c: {  	[sflag:s31] =	ssyncpa.u1 $0x1  }
0x3d: {  	p0 =	sne.s32 s0, $0x0;
	_ =	strace $0x9000004A  }
0x3e: {  	s0 =	sadd.s32 @!p0 $0x100000, s1;
	[bflag:$0x2] =	sbarrier.arrive $0xFFFF  }
0x3f: {  	[sflag:s0] =	ssyncadd.tile.s32 @!p0 $0x1;
	_ =	shalt  }
.Lfunc_end1:
_tile_overlayer_lowered:
.L_overlay_start_2:
0x40: {  	(tag) =	ssettag $0x2  }
0x41: {  	s0 =	rddreg [dreg:$0x0];
	s2 =	stileid.u32  }
0x42: {  	s1 =	rddreg [dreg:$0x1];
	p0 =	sne.s32 s2, $0x0  }
0x43: {  	s3 =	rddreg [dreg:$0x2];
	[bflag:$0x3] =	sbarrier.arrive $0xFFFF;
	s2 =	simm.s32 @!p0 $0x1C01  }
0x44: {  	[timem:s3], [sflag:s2] =	dma.local @!p0 [hbm:s0], s1  }
0x45: {  	s0 =	simm.s32 @!p0 $0x1  }
0x46: {  	_ =	swait.ge @!p0 [sflag:s0], s1  }
0x47: {  	s1 =	ssub.s32 @!p0 $0x0, s1;
	[sflag:s0] =	ssyncset.done @!p0 $0x0  }
0x48: {  	[sflag:s0] =	ssyncadd.s32 @!p0 s1  }
0x49: {  	[bflag:$0x3] =	sbarrier.arrive $0xFFFF  }
0x4a: {  	_ =	shalt  }

</sc_bundles>
